<compile_context>
chip_gen: v7x
topology: tpu7x:2x2x1
jax: 0.10.2.dev20260603
libtpu: 0.0.44.dev20260713+nightly
codegen_flags: <defaults>
</compile_context>

<pallas_src>
import functools

import jax
import jax.numpy as jnp
from jax import lax
from jax.experimental import pallas as pl
from jax.experimental.pallas import tpu as pltpu
from jax.experimental.pallas import tpu_sc as plsc

N_NODES = 10000
N_EDGES = 320000
D = 128

NC = 2
NS = 16
LANES = 16

EDGES_PER_CORE = N_EDGES // NC
EDGES_PER_TILE = EDGES_PER_CORE // NS
SCAT = 80
CHUNK = 80
KSUB = CHUNK // SCAT
NCHUNK = EDGES_PER_TILE // CHUNK
IDX_ROWS = EDGES_PER_TILE // SCAT
N_PAD = 10240
ROWS_PER_TILE = N_PAD // NS
CNT_PAD = 10240
CNT_PER_TILE = CNT_PAD // NS


def _sc_segment_sum(nbr_feat, idx2d):
    mesh = plsc.VectorSubcoreMesh(core_axis_name="c", subcore_axis_name="s")

    @functools.partial(
        pl.kernel,
        out_type=(
            jax.ShapeDtypeStruct((NC, N_PAD, D), jnp.float32),
            jax.ShapeDtypeStruct((NC, CNT_PAD), jnp.float32),
        ),
        mesh=mesh,
        scratch_types=[
            pltpu.VMEM((2, SCAT, D), jnp.float32),
            pltpu.VMEM((IDX_ROWS, SCAT), jnp.int32),
            pltpu.VMEM((SCAT,), jnp.float32),
            pltpu.VMEM((CNT_PER_TILE,), jnp.float32),
            pltpu.VMEM_SHARED((N_PAD, D), jnp.float32),
            pltpu.VMEM_SHARED((CNT_PAD,), jnp.float32),
            pltpu.SemaphoreType.DMA,
            pltpu.SemaphoreType.DMA,
            pltpu.SemaphoreType.DMA,
            pltpu.SemaphoreType.DMA,
        ],
    )
    def sc_kernel(nbr_hbm, idx_hbm, sums_out, cnt_out,
                  rows_v, idx_v, ones_v, zcnt_v, acc_sh, cnt_sh,
                  sem_s0, sem_s1, sem_c0, sem_c1):
        sem_s = [sem_s0, sem_s1]
        sem_c = [sem_c0, sem_c1]
        cid = lax.axis_index("c")
        sid = lax.axis_index("s")

        zeros16 = jnp.zeros((LANES,), jnp.float32)
        ones16 = jnp.ones((LANES,), jnp.float32)

        def zero_row(r, _):
            for c in range(D // LANES):
                rows_v[0, r, pl.ds(c * LANES, LANES)] = zeros16
            return 0

        lax.fori_loop(0, SCAT, zero_row, 0)

        def zero_cnt(i, _):
            zcnt_v[pl.ds(i * LANES, LANES)] = zeros16
            return 0

        lax.fori_loop(0, CNT_PER_TILE // LANES, zero_cnt, 0)

        for i in range(SCAT // LANES):
            ones_v[pl.ds(i * LANES, LANES)] = ones16

        row0 = sid * ROWS_PER_TILE

        def zero_acc(t, _):
            pltpu.sync_copy(rows_v.at[0],
                            acc_sh.at[pl.ds(row0 + t * SCAT, SCAT)])
            return 0

        lax.fori_loop(0, ROWS_PER_TILE // SCAT, zero_acc, 0)
        pltpu.sync_copy(zcnt_v, cnt_sh.at[pl.ds(sid * CNT_PER_TILE, CNT_PER_TILE)])

        plsc.subcore_barrier()

        wid = cid * NS + sid
        edge_base = wid * EDGES_PER_TILE
        pltpu.sync_copy(idx_hbm.at[wid], idx_v)

        NCH = EDGES_PER_TILE // SCAT

        def drain_slot(t):
            pltpu.make_async_copy(rows_v.at[t], acc_sh.at[pl.ds(0, SCAT)],
                                  sem_s[t]).wait()
            pltpu.make_async_copy(ones_v, cnt_sh.at[pl.ds(0, SCAT)],
                                  sem_c[t]).wait()

        def fire_chunk(j, t):
            pltpu.sync_copy(nbr_hbm.at[pl.ds(edge_base + j * SCAT, SCAT)],
                            rows_v.at[t])
            pltpu.async_copy(rows_v.at[t], acc_sh.at[idx_v.at[j]],
                             sem_s[t], add=True)
            pltpu.async_copy(ones_v, cnt_sh.at[idx_v.at[j]],
                             sem_c[t], add=True)

        def pair_body(j2, _):
            for t in range(2):
                j = 2 * j2 + t

                @pl.when(j2 >= 1)
                def _(t=t):
                    drain_slot(t)

                fire_chunk(j, t)
            return 0

        lax.fori_loop(0, NCH // 2, pair_body, 0)
        drain_slot(0)
        drain_slot(1)
        fire_chunk(NCH - 1, 0)
        drain_slot(0)

        plsc.subcore_barrier()

        pltpu.sync_copy(acc_sh.at[pl.ds(row0, ROWS_PER_TILE)],
                        sums_out.at[cid, pl.ds(row0, ROWS_PER_TILE)])
        pltpu.sync_copy(cnt_sh.at[pl.ds(sid * CNT_PER_TILE, CNT_PER_TILE)],
                        cnt_out.at[cid, pl.ds(sid * CNT_PER_TILE, CNT_PER_TILE)])

    return sc_kernel(nbr_feat, idx2d)


def _tc_combine(self_feat, sums_p, cnt_p, W1, W2):
    BLK = 1024
    grid = (N_NODES + BLK - 1) // BLK

    def tc_kernel(self_ref, sums_ref, cnt_ref, w1_ref, w2_ref, out_ref):
        pid = pl.program_id(0)
        s = sums_ref[0] + sums_ref[1]
        c = (cnt_ref[0, pl.ds(pid * BLK, BLK)]
             + cnt_ref[1, pl.ds(pid * BLK, BLK)])
        denom = jnp.maximum(c, 1.0)
        agg = s * (1.0 / denom)[:, None]
        dn = (((1,), (1,)), ((), ()))
        out_ref[...] = (
            lax.dot_general(self_ref[...], w1_ref[...], dn,
                            preferred_element_type=jnp.float32)
            + lax.dot_general(agg, w2_ref[...], dn,
                              preferred_element_type=jnp.float32)
        )

    return pl.pallas_call(
        tc_kernel,
        out_shape=jax.ShapeDtypeStruct((N_NODES, D), jnp.float32),
        grid=(grid,),
        in_specs=[
            pl.BlockSpec((BLK, D), lambda i: (i, 0)),
            pl.BlockSpec((NC, BLK, D), lambda i: (0, i, 0)),
            pl.BlockSpec((NC, CNT_PAD), lambda i: (0, 0)),
            pl.BlockSpec((D, D), lambda i: (0, 0)),
            pl.BlockSpec((D, D), lambda i: (0, 0)),
        ],
        out_specs=pl.BlockSpec((BLK, D), lambda i: (i, 0)),
    )(self_feat, sums_p, cnt_p, W1, W2)


@jax.jit
def kernel(self_feat, nbr_feat, relation_src_indices, W):
    idx3d = relation_src_indices.astype(jnp.int32).reshape(
        NC * NS, IDX_ROWS, SCAT)
    sums_p, cnt_p = _sc_segment_sum(nbr_feat, idx3d)
    W1 = W[:, :D]
    W2 = W[:, D:]
    return _tc_combine(self_feat, sums_p, cnt_p, W1, W2)

# --- scband reference (transcript-rebuilt; emitter-appended) ---
"""Pipeline reference for scband-mean-aggregator-sparse-54863912239180 (READ-ONLY COPY).

The authoritative reference and input builder live on the scoring server;
editing this copy changes nothing except your own understanding.
"""

import jax, jax.numpy as jnp
import numpy as np

N_NODES = 10000
N_EDGES = 320000
D_FEAT = 128
D_OUT = 128


def setup_inputs(seed: int = 0) -> dict:
    key = jax.random.key(seed)
    k1, k2, k3, k4 = jax.random.split(key, 4)
    self_feat = jax.random.normal(k1, (N_NODES, D_FEAT), dtype=jnp.float32)
    nbr_feat = jax.random.normal(k2, (N_EDGES, D_FEAT), dtype=jnp.float32)
    relation_src_indices = jax.random.randint(k3, (N_EDGES,), 0, N_NODES, dtype=jnp.int64 if jax.config.jax_enable_x64 else jnp.int32)
    # fc_layer weight: torch Linear(in=2*D_FEAT, out=D_OUT), xavier_uniform with relu gain
    fan_in = 2 * D_FEAT
    fan_out = D_OUT
    gain = float(np.sqrt(2.0))  # calculate_gain('relu')
    limit = gain * float(np.sqrt(6.0 / (fan_in + fan_out)))
    W = jax.random.uniform(k4, (D_OUT, 2 * D_FEAT), dtype=jnp.float32, minval=-limit, maxval=limit)
    return {"self_feat": self_feat, "nbr_feat": nbr_feat, "relation_src_indices": relation_src_indices, "W": W}


def reference(self_feat, nbr_feat, relation_src_indices, W):
    num_nodes = self_feat.shape[0]
    # scatter(..., reduce='mean') over dim 0 with dim_size=num_nodes
    sums = jax.ops.segment_sum(nbr_feat, relation_src_indices, num_segments=num_nodes)
    counts = jax.ops.segment_sum(jnp.ones((nbr_feat.shape[0],), dtype=nbr_feat.dtype), relation_src_indices, num_segments=num_nodes)
    agg_feat = sums / jnp.clip(counts, 1.0)[:, None]
    # concat target and aggregated neighbor features, then linear (no bias)
    output = jnp.concatenate([self_feat, agg_feat], axis=-1)
    return output @ W.T

if __name__ == "__main__":
    import jax
    _d = setup_inputs()
    print(jax.jit(kernel)(*tuple(_d.values())))

</pallas_src>

<mosaic_0001>
#map = affine_map<(d0, d1) -> (0, 0)>
#map1 = affine_map<(d0, d1) -> (0, 0, 0)>
module attributes {stable_mosaic.version = 14 : i64} {
  func.func @sc_kernel(%arg0: i32, %arg1: i32, %arg2: memref<320000x128xf32, #tpu.memory_space<hbm>>, %arg3: memref<32x125x80xi32, #tpu.memory_space<hbm>>, %arg4: memref<2x10240x128xf32, #tpu.memory_space<hbm>>, %arg5: memref<2x10240xf32, #tpu.memory_space<hbm>>, %arg6: memref<2x80x128xf32, #tpu.memory_space<vmem>>, %arg7: memref<125x80xi32, #tpu.memory_space<vmem>>, %arg8: memref<80xf32, #tpu.memory_space<vmem>>, %arg9: memref<640xf32, #tpu.memory_space<vmem>>, %arg10: memref<10240x128xf32, #tpu.memory_space<vmem_shared>>, %arg11: memref<10240xf32, #tpu.memory_space<vmem_shared>>, %arg12: memref<!tpu.dma_semaphore, #tpu.memory_space<semaphore_mem>>, %arg13: memref<!tpu.dma_semaphore, #tpu.memory_space<semaphore_mem>>, %arg14: memref<!tpu.dma_semaphore, #tpu.memory_space<semaphore_mem>>, %arg15: memref<!tpu.dma_semaphore, #tpu.memory_space<semaphore_mem>>) attributes {dimension_semantics = [#tpu.dimension_semantics<core_parallel>, #tpu.dimension_semantics<subcore_parallel>], iteration_bounds = array<i64: 2, 16>, scalar_prefetch = 0 : i64, scratch_operands = 10 : i64, tpu.core_type = #tpu.core_type<sc_vector_subcore>, window_params = [{transform_indices = #map}, {transform_indices = #map1}, {transform_indices = #map1}, {transform_indices = #map}]} {
    %broadcast_in_dim3A = arith.constant 0.000000e+00 : f32
    %broadcast_in_dim3A_0 = vector.broadcast %broadcast_in_dim3A : f32 to vector<16xf32>
    %broadcast_in_dim3A_1 = arith.constant 1.000000e+00 : f32
    %broadcast_in_dim3A_2 = vector.broadcast %broadcast_in_dim3A_1 : f32 to vector<16xf32>
    %scan3A = arith.constant 0 : i32
    %scan3A_3 = arith.constant 0 : i32
    %scan3A_4 = arith.constant 80 : i32
    %scan3A_5 = arith.addi %scan3A_3, %scan3A_4 : i32
    %scan3A_6 = arith.constant 1 : i32
    %scan3A_7 = scf.for %scan3A_136 = %scan3A_3 to %scan3A_5 step %scan3A_6 iter_args(%scan3A_137 = %scan3A) -> (i32)  : i32 {
      %swap3A_138 = arith.constant 0 : i32
      %swap3A_139 = arith.index_cast %swap3A_138 : i32 to index
      %swap3A_140 = arith.index_cast %scan3A_136 : i32 to index
      %swap3A_141 = arith.constant 0 : index
      %swap3A_142 = tpu.vector_load %arg6[%swap3A_139, %swap3A_140, %swap3A_141] {strides = array<i32>} : memref<2x80x128xf32, #tpu.memory_space<vmem>>, vector<1x1x16xf32>,
      %swap3A_143 = vector.shape_cast %swap3A_142 : vector<1x1x16xf32> to vector<16xf32>
      %swap3A_144 = vector.shape_cast %broadcast_in_dim3A_0 : vector<16xf32> to vector<1x1x16xf32>
      tpu.vector_store %arg6[%swap3A_139, %swap3A_140, %swap3A_141], %swap3A_144 {strides = array<i32>} : memref<2x80x128xf32, #tpu.memory_space<vmem>>, vector<1x1x16xf32>,
      %swap3A_145 = arith.constant 0 : i32
      %swap3A_146 = arith.index_cast %swap3A_145 : i32 to index
      %swap3A_147 = arith.index_cast %scan3A_136 : i32 to index
      %swap3A_148 = arith.constant 16 : index
      %swap3A_149 = tpu.vector_load %arg6[%swap3A_146, %swap3A_147, %swap3A_148] {strides = array<i32>} : memref<2x80x128xf32, #tpu.memory_space<vmem>>, vector<1x1x16xf32>,
      %swap3A_150 = vector.shape_cast %swap3A_149 : vector<1x1x16xf32> to vector<16xf32>
      %swap3A_151 = vector.shape_cast %broadcast_in_dim3A_0 : vector<16xf32> to vector<1x1x16xf32>
      tpu.vector_store %arg6[%swap3A_146, %swap3A_147, %swap3A_148], %swap3A_151 {strides = array<i32>} : memref<2x80x128xf32, #tpu.memory_space<vmem>>, vector<1x1x16xf32>,
      %swap3A_152 = arith.constant 0 : i32
      %swap3A_153 = arith.index_cast %swap3A_152 : i32 to index
      %swap3A_154 = arith.index_cast %scan3A_136 : i32 to index
      %swap3A_155 = arith.constant 32 : index
      %swap3A_156 = tpu.vector_load %arg6[%swap3A_153, %swap3A_154, %swap3A_155] {strides = array<i32>} : memref<2x80x128xf32, #tpu.memory_space<vmem>>, vector<1x1x16xf32>,
      %swap3A_157 = vector.shape_cast %swap3A_156 : vector<1x1x16xf32> to vector<16xf32>
      %swap3A_158 = vector.shape_cast %broadcast_in_dim3A_0 : vector<16xf32> to vector<1x1x16xf32>
      tpu.vector_store %arg6[%swap3A_153, %swap3A_154, %swap3A_155], %swap3A_158 {strides = array<i32>} : memref<2x80x128xf32, #tpu.memory_space<vmem>>, vector<1x1x16xf32>,
      %swap3A_159 = arith.constant 0 : i32
      %swap3A_160 = arith.index_cast %swap3A_159 : i32 to index
      %swap3A_161 = arith.index_cast %scan3A_136 : i32 to index
      %swap3A_162 = arith.constant 48 : index
      %swap3A_163 = tpu.vector_load %arg6[%swap3A_160, %swap3A_161, %swap3A_162] {strides = array<i32>} : memref<2x80x128xf32, #tpu.memory_space<vmem>>, vector<1x1x16xf32>,
      %swap3A_164 = vector.shape_cast %swap3A_163 : vector<1x1x16xf32> to vector<16xf32>
      %swap3A_165 = vector.shape_cast %broadcast_in_dim3A_0 : vector<16xf32> to vector<1x1x16xf32>
      tpu.vector_store %arg6[%swap3A_160, %swap3A_161, %swap3A_162], %swap3A_165 {strides = array<i32>} : memref<2x80x128xf32, #tpu.memory_space<vmem>>, vector<1x1x16xf32>,
      %swap3A_166 = arith.constant 0 : i32
      %swap3A_167 = arith.index_cast %swap3A_166 : i32 to index
      %swap3A_168 = arith.index_cast %scan3A_136 : i32 to index
      %swap3A_169 = arith.constant 64 : index
      %swap3A_170 = tpu.vector_load %arg6[%swap3A_167, %swap3A_168, %swap3A_169] {strides = array<i32>} : memref<2x80x128xf32, #tpu.memory_space<vmem>>, vector<1x1x16xf32>,
      %swap3A_171 = vector.shape_cast %swap3A_170 : vector<1x1x16xf32> to vector<16xf32>
      %swap3A_172 = vector.shape_cast %broadcast_in_dim3A_0 : vector<16xf32> to vector<1x1x16xf32>
      tpu.vector_store %arg6[%swap3A_167, %swap3A_168, %swap3A_169], %swap3A_172 {strides = array<i32>} : memref<2x80x128xf32, #tpu.memory_space<vmem>>, vector<1x1x16xf32>,
      %swap3A_173 = arith.constant 0 : i32
      %swap3A_174 = arith.index_cast %swap3A_173 : i32 to index
      %swap3A_175 = arith.index_cast %scan3A_136 : i32 to index
      %swap3A_176 = arith.constant 80 : index
      %swap3A_177 = tpu.vector_load %arg6[%swap3A_174, %swap3A_175, %swap3A_176] {strides = array<i32>} : memref<2x80x128xf32, #tpu.memory_space<vmem>>, vector<1x1x16xf32>,
      %swap3A_178 = vector.shape_cast %swap3A_177 : vector<1x1x16xf32> to vector<16xf32>
      %swap3A_179 = vector.shape_cast %broadcast_in_dim3A_0 : vector<16xf32> to vector<1x1x16xf32>
      tpu.vector_store %arg6[%swap3A_174, %swap3A_175, %swap3A_176], %swap3A_179 {strides = array<i32>} : memref<2x80x128xf32, #tpu.memory_space<vmem>>, vector<1x1x16xf32>,
      %swap3A_180 = arith.constant 0 : i32
      %swap3A_181 = arith.index_cast %swap3A_180 : i32 to index
      %swap3A_182 = arith.index_cast %scan3A_136 : i32 to index
      %swap3A_183 = arith.constant 96 : index
      %swap3A_184 = tpu.vector_load %arg6[%swap3A_181, %swap3A_182, %swap3A_183] {strides = array<i32>} : memref<2x80x128xf32, #tpu.memory_space<vmem>>, vector<1x1x16xf32>,
      %swap3A_185 = vector.shape_cast %swap3A_184 : vector<1x1x16xf32> to vector<16xf32>
      %swap3A_186 = vector.shape_cast %broadcast_in_dim3A_0 : vector<16xf32> to vector<1x1x16xf32>
      tpu.vector_store %arg6[%swap3A_181, %swap3A_182, %swap3A_183], %swap3A_186 {strides = array<i32>} : memref<2x80x128xf32, #tpu.memory_space<vmem>>, vector<1x1x16xf32>,
      %swap3A_187 = arith.constant 0 : i32
      %swap3A_188 = arith.index_cast %swap3A_187 : i32 to index
      %swap3A_189 = arith.index_cast %scan3A_136 : i32 to index
      %swap3A_190 = arith.constant 112 : index
      %swap3A_191 = tpu.vector_load %arg6[%swap3A_188, %swap3A_189, %swap3A_190] {strides = array<i32>} : memref<2x80x128xf32, #tpu.memory_space<vmem>>, vector<1x1x16xf32>,
      %swap3A_192 = vector.shape_cast %swap3A_191 : vector<1x1x16xf32> to vector<16xf32>
      %swap3A_193 = vector.shape_cast %broadcast_in_dim3A_0 : vector<16xf32> to vector<1x1x16xf32>
      tpu.vector_store %arg6[%swap3A_188, %swap3A_189, %swap3A_190], %swap3A_193 {strides = array<i32>} : memref<2x80x128xf32, #tpu.memory_space<vmem>>, vector<1x1x16xf32>,
      %scan3A_194 = arith.constant 0 : i32
      scf.yield %scan3A_194 : i32
    }
    %scan3A_8 = arith.constant 80 : i32
    %scan3A_9 = arith.constant 0 : i32
    %scan3A_10 = arith.constant 0 : i32
    %scan3A_11 = arith.constant 40 : i32
    %scan3A_12 = arith.addi %scan3A_10, %scan3A_11 : i32
    %scan3A_13 = arith.constant 1 : i32
    %scan3A_14 = scf.for %scan3A_136 = %scan3A_10 to %scan3A_12 step %scan3A_13 iter_args(%scan3A_137 = %scan3A_9) -> (i32)  : i32 {
      %mul3A_138 = arith.constant 16 : i32
      %mul3A_139 = arith.muli %scan3A_136, %mul3A_138 : i32
      %swap3A_140 = arith.index_cast %mul3A_139 : i32 to index
      %swap3A_141 = tpu.vector_load %arg9[%swap3A_140] {strides = array<i32>} : memref<640xf32, #tpu.memory_space<vmem>>, vector<16xf32>,
      %swap3A_142 = vector.shape_cast %swap3A_141 : vector<16xf32> to vector<16xf32>
      %swap3A_143 = vector.shape_cast %broadcast_in_dim3A_0 : vector<16xf32> to vector<16xf32>
      tpu.vector_store %arg9[%swap3A_140], %swap3A_143 {strides = array<i32>} : memref<640xf32, #tpu.memory_space<vmem>>, vector<16xf32>,
      %scan3A_144 = arith.constant 0 : i32
      scf.yield %scan3A_144 : i32
    }
    %scan3A_15 = arith.constant 40 : i32
    %swap3A = arith.constant 0 : index
    %swap3A_16 = tpu.vector_load %arg8[%swap3A] {strides = array<i32>} : memref<80xf32, #tpu.memory_space<vmem>>, vector<16xf32>,
    %swap3A_17 = vector.shape_cast %swap3A_16 : vector<16xf32> to vector<16xf32>
    %swap3A_18 = vector.shape_cast %broadcast_in_dim3A_2 : vector<16xf32> to vector<16xf32>
    tpu.vector_store %arg8[%swap3A], %swap3A_18 {strides = array<i32>} : memref<80xf32, #tpu.memory_space<vmem>>, vector<16xf32>,
    %swap3A_19 = arith.constant 16 : index
    %swap3A_20 = tpu.vector_load %arg8[%swap3A_19] {strides = array<i32>} : memref<80xf32, #tpu.memory_space<vmem>>, vector<16xf32>,
    %swap3A_21 = vector.shape_cast %swap3A_20 : vector<16xf32> to vector<16xf32>
    %swap3A_22 = vector.shape_cast %broadcast_in_dim3A_2 : vector<16xf32> to vector<16xf32>
    tpu.vector_store %arg8[%swap3A_19], %swap3A_22 {strides = array<i32>} : memref<80xf32, #tpu.memory_space<vmem>>, vector<16xf32>,
    %swap3A_23 = arith.constant 32 : index
    %swap3A_24 = tpu.vector_load %arg8[%swap3A_23] {strides = array<i32>} : memref<80xf32, #tpu.memory_space<vmem>>, vector<16xf32>,
    %swap3A_25 = vector.shape_cast %swap3A_24 : vector<16xf32> to vector<16xf32>
    %swap3A_26 = vector.shape_cast %broadcast_in_dim3A_2 : vector<16xf32> to vector<16xf32>
    tpu.vector_store %arg8[%swap3A_23], %swap3A_26 {strides = array<i32>} : memref<80xf32, #tpu.memory_space<vmem>>, vector<16xf32>,
    %swap3A_27 = arith.constant 48 : index
    %swap3A_28 = tpu.vector_load %arg8[%swap3A_27] {strides = array<i32>} : memref<80xf32, #tpu.memory_space<vmem>>, vector<16xf32>,
    %swap3A_29 = vector.shape_cast %swap3A_28 : vector<16xf32> to vector<16xf32>
    %swap3A_30 = vector.shape_cast %broadcast_in_dim3A_2 : vector<16xf32> to vector<16xf32>
    tpu.vector_store %arg8[%swap3A_27], %swap3A_30 {strides = array<i32>} : memref<80xf32, #tpu.memory_space<vmem>>, vector<16xf32>,
    %swap3A_31 = arith.constant 64 : index
    %swap3A_32 = tpu.vector_load %arg8[%swap3A_31] {strides = array<i32>} : memref<80xf32, #tpu.memory_space<vmem>>, vector<16xf32>,
    %swap3A_33 = vector.shape_cast %swap3A_32 : vector<16xf32> to vector<16xf32>
    %swap3A_34 = vector.shape_cast %broadcast_in_dim3A_2 : vector<16xf32> to vector<16xf32>
    tpu.vector_store %arg8[%swap3A_31], %swap3A_34 {strides = array<i32>} : memref<80xf32, #tpu.memory_space<vmem>>, vector<16xf32>,
    %mul3A = arith.constant 640 : i32
    %mul3A_35 = arith.muli %arg1, %mul3A : i32
    %scan3A_36 = arith.constant 0 : i32
    %scan3A_37 = arith.constant 0 : i32
    %scan3A_38 = arith.constant 8 : i32
    %scan3A_39 = arith.addi %scan3A_37, %scan3A_38 : i32
    %scan3A_40 = arith.constant 1 : i32
    %scan3A_41 = scf.for %scan3A_136 = %scan3A_37 to %scan3A_39 step %scan3A_40 iter_args(%scan3A_137 = %scan3A_36) -> (i32)  : i32 {
      %mul3A_138 = arith.constant 80 : i32
      %mul3A_139 = arith.muli %scan3A_136, %mul3A_138 : i32
      %add3A_140 = arith.addi %mul3A_35, %mul3A_139 : i32
      %run_scoped3A_141 = arith.constant 0 : i32
      "tpu.region"() ({
        %run_scoped3A_143 = tpu.sem_alloc : memref<!tpu.dma_semaphore, #tpu.memory_space<semaphore_mem>>
        %dma_start3A_144 = arith.constant 0 : i32
        %dma_start3A_145 = arith.constant 0 : i32
        %dma_start3A_146 = tpu.memref_slice %arg6[%run_scoped3A_141, %dma_start3A_144, %dma_start3A_145] : memref<2x80x128xf32, #tpu.memory_space<vmem>> -> memref<1x80x128xf32, #tpu.memory_space<vmem>>
        %dma_start3A_147 = tpu.memref_squeeze %dma_start3A_146 : memref<1x80x128xf32, #tpu.memory_space<vmem>> -> memref<80x128xf32, #tpu.memory_space<vmem>>
        %dma_start3A_148 = arith.constant 0 : i32
        %dma_start3A_149 = tpu.memref_slice %arg10[%add3A_140, %dma_start3A_148] : memref<10240x128xf32, #tpu.memory_space<vmem_shared>> -> memref<80x128xf32, #tpu.memory_space<vmem_shared>>
        %dma_start3A_150 = arith.constant 0 : i32
        %dma_start3A_151 = tpu.memref_slice %arg10[%add3A_140, %dma_start3A_150] : memref<10240x128xf32, #tpu.memory_space<vmem_shared>> -> memref<80x128xf32, #tpu.memory_space<vmem_shared>>
        %dma_start3A_152 = arith.constant 0 : i32
        %dma_start3A_153 = arith.constant 0 : i32
        %dma_start3A_154 = tpu.memref_slice %arg6[%run_scoped3A_141, %dma_start3A_152, %dma_start3A_153] : memref<2x80x128xf32, #tpu.memory_space<vmem>> -> memref<1x80x128xf32, #tpu.memory_space<vmem>>
        %dma_start3A_155 = tpu.memref_squeeze %dma_start3A_154 : memref<1x80x128xf32, #tpu.memory_space<vmem>> -> memref<80x128xf32, #tpu.memory_space<vmem>>
        tpu.enqueue_dma source(%dma_start3A_155 : memref<80x128xf32, #tpu.memory_space<vmem>>) target(%dma_start3A_151 : memref<80x128xf32, #tpu.memory_space<vmem_shared>>) target_semaphore(%run_scoped3A_143 : memref<!tpu.dma_semaphore, #tpu.memory_space<semaphore_mem>>)
        %dma_wait3A_156 = arith.constant 0 : i32
        %dma_wait3A_157 = arith.constant 0 : i32
        %dma_wait3A_158 = tpu.memref_slice %arg6[%run_scoped3A_141, %dma_wait3A_156, %dma_wait3A_157] : memref<2x80x128xf32, #tpu.memory_space<vmem>> -> memref<1x80x128xf32, #tpu.memory_space<vmem>>
        %dma_wait3A_159 = tpu.memref_squeeze %dma_wait3A_158 : memref<1x80x128xf32, #tpu.memory_space<vmem>> -> memref<80x128xf32, #tpu.memory_space<vmem>>
        %dma_wait3A_160 = arith.constant 0 : i32
        %dma_wait3A_161 = tpu.memref_slice %arg10[%add3A_140, %dma_wait3A_160] : memref<10240x128xf32, #tpu.memory_space<vmem_shared>> -> memref<80x128xf32, #tpu.memory_space<vmem_shared>>
        %dma_wait3A_162 = arith.constant 0 : i32
        %dma_wait3A_163 = tpu.memref_slice %arg10[%add3A_140, %dma_wait3A_162] : memref<10240x128xf32, #tpu.memory_space<vmem_shared>> -> memref<80x128xf32, #tpu.memory_space<vmem_shared>>
        %dma_wait3A_164 = arith.constant 0 : i32
        %dma_wait3A_165 = arith.constant 0 : i32
        %dma_wait3A_166 = tpu.memref_slice %arg6[%run_scoped3A_141, %dma_wait3A_164, %dma_wait3A_165] : memref<2x80x128xf32, #tpu.memory_space<vmem>> -> memref<1x80x128xf32, #tpu.memory_space<vmem>>
        %dma_wait3A_167 = tpu.memref_squeeze %dma_wait3A_166 : memref<1x80x128xf32, #tpu.memory_space<vmem>> -> memref<80x128xf32, #tpu.memory_space<vmem>>
        tpu.wait_dma2 semaphore(%run_scoped3A_143 : memref<!tpu.dma_semaphore, #tpu.memory_space<semaphore_mem>>) src(%dma_wait3A_167 : memref<80x128xf32, #tpu.memory_space<vmem>>) dst(%dma_wait3A_163 : memref<80x128xf32, #tpu.memory_space<vmem_shared>>)
        tpu.yield
      }) : () -> ()
      %scan3A_142 = arith.constant 0 : i32
      scf.yield %scan3A_142 : i32
    }
    %scan3A_42 = arith.constant 8 : i32
    %mul3A_43 = arith.constant 640 : i32
    %mul3A_44 = arith.muli %arg1, %mul3A_43 : i32
    "tpu.region"() ({
      %run_scoped3A_136 = tpu.sem_alloc : memref<!tpu.dma_semaphore, #tpu.memory_space<semaphore_mem>>
      %dma_start3A_137 = tpu.memref_slice %arg11[%mul3A_44] : memref<10240xf32, #tpu.memory_space<vmem_shared>> -> memref<640xf32, #tpu.memory_space<vmem_shared>>
      %dma_start3A_138 = tpu.memref_slice %arg11[%mul3A_44] : memref<10240xf32, #tpu.memory_space<vmem_shared>> -> memref<640xf32, #tpu.memory_space<vmem_shared>>
      tpu.enqueue_dma source(%arg9 : memref<640xf32, #tpu.memory_space<vmem>>) target(%dma_start3A_138 : memref<640xf32, #tpu.memory_space<vmem_shared>>) target_semaphore(%run_scoped3A_136 : memref<!tpu.dma_semaphore, #tpu.memory_space<semaphore_mem>>)
      %dma_wait3A_139 = tpu.memref_slice %arg11[%mul3A_44] : memref<10240xf32, #tpu.memory_space<vmem_shared>> -> memref<640xf32, #tpu.memory_space<vmem_shared>>
      %dma_wait3A_140 = tpu.memref_slice %arg11[%mul3A_44] : memref<10240xf32, #tpu.memory_space<vmem_shared>> -> memref<640xf32, #tpu.memory_space<vmem_shared>>
      tpu.wait_dma2 semaphore(%run_scoped3A_136 : memref<!tpu.dma_semaphore, #tpu.memory_space<semaphore_mem>>) src(%arg9 : memref<640xf32, #tpu.memory_space<vmem>>) dst(%dma_wait3A_140 : memref<640xf32, #tpu.memory_space<vmem_shared>>)
      tpu.yield
    }) : () -> ()
    %barrier3A = arith.constant 0 : index
    tpu.barrier barrier_id(%barrier3A)
    %mul3A_45 = arith.constant 16 : i32
    %mul3A_46 = arith.muli %arg0, %mul3A_45 : i32
    %add3A = arith.addi %mul3A_46, %arg1 : i32
    %mul3A_47 = arith.constant 10000 : i32
    %mul3A_48 = arith.muli %add3A, %mul3A_47 : i32
    "tpu.region"() ({
      %run_scoped3A_136 = tpu.sem_alloc : memref<!tpu.dma_semaphore, #tpu.memory_space<semaphore_mem>>
      %dma_start3A_137 = arith.constant 0 : i32
      %dma_start3A_138 = arith.constant 0 : i32
      %dma_start3A_139 = tpu.memref_slice %arg3[%add3A, %dma_start3A_137, %dma_start3A_138] : memref<32x125x80xi32, #tpu.memory_space<hbm>> -> memref<1x125x80xi32, #tpu.memory_space<hbm>>
      %dma_start3A_140 = tpu.memref_squeeze %dma_start3A_139 : memref<1x125x80xi32, #tpu.memory_space<hbm>> -> memref<125x80xi32, #tpu.memory_space<hbm>>
      %dma_start3A_141 = arith.constant 0 : i32
      %dma_start3A_142 = arith.constant 0 : i32
      %dma_start3A_143 = tpu.memref_slice %arg3[%add3A, %dma_start3A_141, %dma_start3A_142] : memref<32x125x80xi32, #tpu.memory_space<hbm>> -> memref<1x125x80xi32, #tpu.memory_space<hbm>>
      %dma_start3A_144 = tpu.memref_squeeze %dma_start3A_143 : memref<1x125x80xi32, #tpu.memory_space<hbm>> -> memref<125x80xi32, #tpu.memory_space<hbm>>
      tpu.enqueue_dma source(%dma_start3A_144 : memref<125x80xi32, #tpu.memory_space<hbm>>) target(%arg7 : memref<125x80xi32, #tpu.memory_space<vmem>>) target_semaphore(%run_scoped3A_136 : memref<!tpu.dma_semaphore, #tpu.memory_space<semaphore_mem>>)
      %dma_wait3A_145 = arith.constant 0 : i32
      %dma_wait3A_146 = arith.constant 0 : i32
      %dma_wait3A_147 = tpu.memref_slice %arg3[%add3A, %dma_wait3A_145, %dma_wait3A_146] : memref<32x125x80xi32, #tpu.memory_space<hbm>> -> memref<1x125x80xi32, #tpu.memory_space<hbm>>
      %dma_wait3A_148 = tpu.memref_squeeze %dma_wait3A_147 : memref<1x125x80xi32, #tpu.memory_space<hbm>> -> memref<125x80xi32, #tpu.memory_space<hbm>>
      %dma_wait3A_149 = arith.constant 0 : i32
      %dma_wait3A_150 = arith.constant 0 : i32
      %dma_wait3A_151 = tpu.memref_slice %arg3[%add3A, %dma_wait3A_149, %dma_wait3A_150] : memref<32x125x80xi32, #tpu.memory_space<hbm>> -> memref<1x125x80xi32, #tpu.memory_space<hbm>>
      %dma_wait3A_152 = tpu.memref_squeeze %dma_wait3A_151 : memref<1x125x80xi32, #tpu.memory_space<hbm>> -> memref<125x80xi32, #tpu.memory_space<hbm>>
      tpu.wait_dma2 semaphore(%run_scoped3A_136 : memref<!tpu.dma_semaphore, #tpu.memory_space<semaphore_mem>>) src(%dma_wait3A_152 : memref<125x80xi32, #tpu.memory_space<hbm>>) dst(%arg7 : memref<125x80xi32, #tpu.memory_space<vmem>>)
      tpu.yield
    }) : () -> ()
    %scan3A_49 = arith.constant 0 : i32
    %scan3A_50 = arith.constant 0 : i32
    %scan3A_51 = arith.constant 62 : i32
    %scan3A_52 = arith.addi %scan3A_50, %scan3A_51 : i32
    %scan3A_53 = arith.constant 1 : i32
    %scan3A_54 = scf.for %scan3A_136 = %scan3A_50 to %scan3A_52 step %scan3A_53 iter_args(%scan3A_137 = %scan3A_49) -> (i32)  : i32 {
      %mul3A_138 = arith.constant 2 : i32
      %mul3A_139 = arith.muli %mul3A_138, %scan3A_136 : i32
      %add3A_140 = arith.constant 0 : i32
      %add3A_141 = arith.addi %mul3A_139, %add3A_140 : i32
      %ge3A = arith.constant 1 : i32
      %ge3A_142 = arith.cmpi sge, %scan3A_136, %ge3A : i32
      %convert_element_type3A = arith.extui %ge3A_142 : i1 to i32
      %cond3A = arith.constant 0 : i32
      %cond3A_143 = arith.cmpi ne, %convert_element_type3A, %cond3A : i32
      scf.if %cond3A_143 {
        %dma_wait3A_194 = arith.constant 0 : i32
        %dma_wait3A_195 = arith.constant 0 : i32
        %dma_wait3A_196 = arith.constant 0 : i32
        %dma_wait3A_197 = tpu.memref_slice %arg6[%dma_wait3A_194, %dma_wait3A_195, %dma_wait3A_196] : memref<2x80x128xf32, #tpu.memory_space<vmem>> -> memref<1x80x128xf32, #tpu.memory_space<vmem>>
        %dma_wait3A_198 = tpu.memref_squeeze %dma_wait3A_197 : memref<1x80x128xf32, #tpu.memory_space<vmem>> -> memref<80x128xf32, #tpu.memory_space<vmem>>
        %dma_wait3A_199 = arith.constant 0 : i32
        %dma_wait3A_200 = arith.constant 0 : i32
        %dma_wait3A_201 = tpu.memref_slice %arg10[%dma_wait3A_199, %dma_wait3A_200] : memref<10240x128xf32, #tpu.memory_space<vmem_shared>> -> memref<80x128xf32, #tpu.memory_space<vmem_shared>>
        %dma_wait3A_202 = arith.constant 0 : i32
        %dma_wait3A_203 = arith.constant 0 : i32
        %dma_wait3A_204 = tpu.memref_slice %arg10[%dma_wait3A_202, %dma_wait3A_203] : memref<10240x128xf32, #tpu.memory_space<vmem_shared>> -> memref<80x128xf32, #tpu.memory_space<vmem_shared>>
        %dma_wait3A_205 = arith.constant 0 : i32
        %dma_wait3A_206 = arith.constant 0 : i32
        %dma_wait3A_207 = tpu.memref_slice %arg6[%dma_wait3A_194, %dma_wait3A_205, %dma_wait3A_206] : memref<2x80x128xf32, #tpu.memory_space<vmem>> -> memref<1x80x128xf32, #tpu.memory_space<vmem>>
        %dma_wait3A_208 = tpu.memref_squeeze %dma_wait3A_207 : memref<1x80x128xf32, #tpu.memory_space<vmem>> -> memref<80x128xf32, #tpu.memory_space<vmem>>
        tpu.wait_dma2 semaphore(%arg12 : memref<!tpu.dma_semaphore, #tpu.memory_space<semaphore_mem>>) src(%dma_wait3A_208 : memref<80x128xf32, #tpu.memory_space<vmem>>) dst(%dma_wait3A_204 : memref<80x128xf32, #tpu.memory_space<vmem_shared>>)
        %dma_wait3A_209 = arith.constant 0 : i32
        %dma_wait3A_210 = tpu.memref_slice %arg11[%dma_wait3A_209] : memref<10240xf32, #tpu.memory_space<vmem_shared>> -> memref<80xf32, #tpu.memory_space<vmem_shared>>
        %dma_wait3A_211 = arith.constant 0 : i32
        %dma_wait3A_212 = tpu.memref_slice %arg11[%dma_wait3A_211] : memref<10240xf32, #tpu.memory_space<vmem_shared>> -> memref<80xf32, #tpu.memory_space<vmem_shared>>
        tpu.wait_dma2 semaphore(%arg14 : memref<!tpu.dma_semaphore, #tpu.memory_space<semaphore_mem>>) src(%arg8 : memref<80xf32, #tpu.memory_space<vmem>>) dst(%dma_wait3A_212 : memref<80xf32, #tpu.memory_space<vmem_shared>>)
      } else {
      }
      %mul3A_144 = arith.constant 80 : i32
      %mul3A_145 = arith.muli %add3A_141, %mul3A_144 : i32
      %add3A_146 = arith.addi %mul3A_48, %mul3A_145 : i32
      %run_scoped3A_147 = arith.constant 0 : i32
      "tpu.region"() ({
        %run_scoped3A_194 = tpu.sem_alloc : memref<!tpu.dma_semaphore, #tpu.memory_space<semaphore_mem>>
        %dma_start3A_195 = arith.constant 0 : i32
        %dma_start3A_196 = arith.constant 0 : i32
        %dma_start3A_197 = tpu.memref_slice %arg6[%run_scoped3A_147, %dma_start3A_195, %dma_start3A_196] : memref<2x80x128xf32, #tpu.memory_space<vmem>> -> memref<1x80x128xf32, #tpu.memory_space<vmem>>
        %dma_start3A_198 = tpu.memref_squeeze %dma_start3A_197 : memref<1x80x128xf32, #tpu.memory_space<vmem>> -> memref<80x128xf32, #tpu.memory_space<vmem>>
        %dma_start3A_199 = arith.constant 0 : i32
        %dma_start3A_200 = tpu.memref_slice %arg2[%add3A_146, %dma_start3A_199] : memref<320000x128xf32, #tpu.memory_space<hbm>> -> memref<80x128xf32, #tpu.memory_space<hbm>>
        %dma_start3A_201 = arith.constant 0 : i32
        %dma_start3A_202 = arith.constant 0 : i32
        %dma_start3A_203 = tpu.memref_slice %arg6[%run_scoped3A_147, %dma_start3A_201, %dma_start3A_202] : memref<2x80x128xf32, #tpu.memory_space<vmem>> -> memref<1x80x128xf32, #tpu.memory_space<vmem>>
        %dma_start3A_204 = tpu.memref_squeeze %dma_start3A_203 : memref<1x80x128xf32, #tpu.memory_space<vmem>> -> memref<80x128xf32, #tpu.memory_space<vmem>>
        %dma_start3A_205 = arith.constant 0 : i32
        %dma_start3A_206 = tpu.memref_slice %arg2[%add3A_146, %dma_start3A_205] : memref<320000x128xf32, #tpu.memory_space<hbm>> -> memref<80x128xf32, #tpu.memory_space<hbm>>
        tpu.enqueue_dma source(%dma_start3A_206 : memref<80x128xf32, #tpu.memory_space<hbm>>) target(%dma_start3A_204 : memref<80x128xf32, #tpu.memory_space<vmem>>) target_semaphore(%run_scoped3A_194 : memref<!tpu.dma_semaphore, #tpu.memory_space<semaphore_mem>>)
        %dma_wait3A_207 = arith.constant 0 : i32
        %dma_wait3A_208 = arith.constant 0 : i32
        %dma_wait3A_209 = tpu.memref_slice %arg6[%run_scoped3A_147, %dma_wait3A_207, %dma_wait3A_208] : memref<2x80x128xf32, #tpu.memory_space<vmem>> -> memref<1x80x128xf32, #tpu.memory_space<vmem>>
        %dma_wait3A_210 = tpu.memref_squeeze %dma_wait3A_209 : memref<1x80x128xf32, #tpu.memory_space<vmem>> -> memref<80x128xf32, #tpu.memory_space<vmem>>
        %dma_wait3A_211 = arith.constant 0 : i32
        %dma_wait3A_212 = tpu.memref_slice %arg2[%add3A_146, %dma_wait3A_211] : memref<320000x128xf32, #tpu.memory_space<hbm>> -> memref<80x128xf32, #tpu.memory_space<hbm>>
        %dma_wait3A_213 = arith.constant 0 : i32
        %dma_wait3A_214 = arith.constant 0 : i32
        %dma_wait3A_215 = tpu.memref_slice %arg6[%run_scoped3A_147, %dma_wait3A_213, %dma_wait3A_214] : memref<2x80x128xf32, #tpu.memory_space<vmem>> -> memref<1x80x128xf32, #tpu.memory_space<vmem>>
        %dma_wait3A_216 = tpu.memref_squeeze %dma_wait3A_215 : memref<1x80x128xf32, #tpu.memory_space<vmem>> -> memref<80x128xf32, #tpu.memory_space<vmem>>
        %dma_wait3A_217 = arith.constant 0 : i32
        %dma_wait3A_218 = tpu.memref_slice %arg2[%add3A_146, %dma_wait3A_217] : memref<320000x128xf32, #tpu.memory_space<hbm>> -> memref<80x128xf32, #tpu.memory_space<hbm>>
        tpu.wait_dma2 semaphore(%run_scoped3A_194 : memref<!tpu.dma_semaphore, #tpu.memory_space<semaphore_mem>>) src(%dma_wait3A_218 : memref<80x128xf32, #tpu.memory_space<hbm>>) dst(%dma_wait3A_216 : memref<80x128xf32, #tpu.memory_space<vmem>>)
        tpu.yield
      }) : () -> ()
      %dma_start3A_148 = arith.constant 0 : i32
      %dma_start3A_149 = arith.constant 0 : i32
      %dma_start3A_150 = arith.constant 0 : i32
      %dma_start3A_151 = tpu.memref_slice %arg6[%dma_start3A_148, %dma_start3A_149, %dma_start3A_150] : memref<2x80x128xf32, #tpu.memory_space<vmem>> -> memref<1x80x128xf32, #tpu.memory_space<vmem>>
      %dma_start3A_152 = tpu.memref_squeeze %dma_start3A_151 : memref<1x80x128xf32, #tpu.memory_space<vmem>> -> memref<80x128xf32, #tpu.memory_space<vmem>>
      %dma_start3A_153 = arith.constant 0 : i32
      %dma_start3A_154 = tpu.memref_slice %arg7[%add3A_141, %dma_start3A_153] : memref<125x80xi32, #tpu.memory_space<vmem>> -> memref<1x80xi32, #tpu.memory_space<vmem>>
      %dma_start3A_155 = tpu.memref_squeeze %dma_start3A_154 : memref<1x80xi32, #tpu.memory_space<vmem>> -> memref<80xi32, #tpu.memory_space<vmem>>
      %dma_start3A_156 = arith.constant 0 : i32
      %dma_start3A_157 = arith.constant 0 : i32
      %dma_start3A_158 = tpu.memref_slice %arg10[%dma_start3A_156, %dma_start3A_157] : memref<10240x128xf32, #tpu.memory_space<vmem_shared>> -> memref<10240x128xf32, #tpu.memory_space<vmem_shared>>
      tpu.enqueue_indirect_dma source(%dma_start3A_152 : memref<80x128xf32, #tpu.memory_space<vmem>>) target(%dma_start3A_158 : memref<10240x128xf32, #tpu.memory_space<vmem_shared>>) offsets(%dma_start3A_155 : memref<80xi32, #tpu.memory_space<vmem>>) semaphore(%arg12 : memref<!tpu.dma_semaphore, #tpu.memory_space<semaphore_mem>>) {add = true}
      %dma_start3A_159 = arith.constant 0 : i32
      %dma_start3A_160 = tpu.memref_slice %arg7[%add3A_141, %dma_start3A_159] : memref<125x80xi32, #tpu.memory_space<vmem>> -> memref<1x80xi32, #tpu.memory_space<vmem>>
      %dma_start3A_161 = tpu.memref_squeeze %dma_start3A_160 : memref<1x80xi32, #tpu.memory_space<vmem>> -> memref<80xi32, #tpu.memory_space<vmem>>
      %dma_start3A_162 = arith.constant 0 : i32
      %dma_start3A_163 = tpu.memref_slice %arg11[%dma_start3A_162] : memref<10240xf32, #tpu.memory_space<vmem_shared>> -> memref<10240xf32, #tpu.memory_space<vmem_shared>>
      tpu.enqueue_indirect_dma source(%arg8 : memref<80xf32, #tpu.memory_space<vmem>>) target(%dma_start3A_163 : memref<10240xf32, #tpu.memory_space<vmem_shared>>) offsets(%dma_start3A_161 : memref<80xi32, #tpu.memory_space<vmem>>) semaphore(%arg14 : memref<!tpu.dma_semaphore, #tpu.memory_space<semaphore_mem>>) {add = true}
      %mul3A_164 = arith.constant 2 : i32
      %mul3A_165 = arith.muli %mul3A_164, %scan3A_136 : i32
      %add3A_166 = arith.constant 1 : i32
      %add3A_167 = arith.addi %mul3A_165, %add3A_166 : i32
      %ge3A_168 = arith.constant 1 : i32
      %ge3A_169 = arith.cmpi sge, %scan3A_136, %ge3A_168 : i32
      %convert_element_type3A_170 = arith.extui %ge3A_169 : i1 to i32
      %cond3A_171 = arith.constant 0 : i32
      %cond3A_172 = arith.cmpi ne, %convert_element_type3A_170, %cond3A_171 : i32
      scf.if %cond3A_172 {
        %dma_wait3A_194 = arith.constant 1 : i32
        %dma_wait3A_195 = arith.constant 0 : i32
        %dma_wait3A_196 = arith.constant 0 : i32
        %dma_wait3A_197 = tpu.memref_slice %arg6[%dma_wait3A_194, %dma_wait3A_195, %dma_wait3A_196] : memref<2x80x128xf32, #tpu.memory_space<vmem>> -> memref<1x80x128xf32, #tpu.memory_space<vmem>>
        %dma_wait3A_198 = tpu.memref_squeeze %dma_wait3A_197 : memref<1x80x128xf32, #tpu.memory_space<vmem>> -> memref<80x128xf32, #tpu.memory_space<vmem>>
        %dma_wait3A_199 = arith.constant 0 : i32
        %dma_wait3A_200 = arith.constant 0 : i32
        %dma_wait3A_201 = tpu.memref_slice %arg10[%dma_wait3A_199, %dma_wait3A_200] : memref<10240x128xf32, #tpu.memory_space<vmem_shared>> -> memref<80x128xf32, #tpu.memory_space<vmem_shared>>
        %dma_wait3A_202 = arith.constant 0 : i32
        %dma_wait3A_203 = arith.constant 0 : i32
        %dma_wait3A_204 = tpu.memref_slice %arg10[%dma_wait3A_202, %dma_wait3A_203] : memref<10240x128xf32, #tpu.memory_space<vmem_shared>> -> memref<80x128xf32, #tpu.memory_space<vmem_shared>>
        %dma_wait3A_205 = arith.constant 0 : i32
        %dma_wait3A_206 = arith.constant 0 : i32
        %dma_wait3A_207 = tpu.memref_slice %arg6[%dma_wait3A_194, %dma_wait3A_205, %dma_wait3A_206] : memref<2x80x128xf32, #tpu.memory_space<vmem>> -> memref<1x80x128xf32, #tpu.memory_space<vmem>>
        %dma_wait3A_208 = tpu.memref_squeeze %dma_wait3A_207 : memref<1x80x128xf32, #tpu.memory_space<vmem>> -> memref<80x128xf32, #tpu.memory_space<vmem>>
        tpu.wait_dma2 semaphore(%arg13 : memref<!tpu.dma_semaphore, #tpu.memory_space<semaphore_mem>>) src(%dma_wait3A_208 : memref<80x128xf32, #tpu.memory_space<vmem>>) dst(%dma_wait3A_204 : memref<80x128xf32, #tpu.memory_space<vmem_shared>>)
        %dma_wait3A_209 = arith.constant 0 : i32
        %dma_wait3A_210 = tpu.memref_slice %arg11[%dma_wait3A_209] : memref<10240xf32, #tpu.memory_space<vmem_shared>> -> memref<80xf32, #tpu.memory_space<vmem_shared>>
        %dma_wait3A_211 = arith.constant 0 : i32
        %dma_wait3A_212 = tpu.memref_slice %arg11[%dma_wait3A_211] : memref<10240xf32, #tpu.memory_space<vmem_shared>> -> memref<80xf32, #tpu.memory_space<vmem_shared>>
        tpu.wait_dma2 semaphore(%arg15 : memref<!tpu.dma_semaphore, #tpu.memory_space<semaphore_mem>>) src(%arg8 : memref<80xf32, #tpu.memory_space<vmem>>) dst(%dma_wait3A_212 : memref<80xf32, #tpu.memory_space<vmem_shared>>)
      } else {
      }
      %mul3A_173 = arith.constant 80 : i32
      %mul3A_174 = arith.muli %add3A_167, %mul3A_173 : i32
      %add3A_175 = arith.addi %mul3A_48, %mul3A_174 : i32
      %run_scoped3A_176 = arith.constant 1 : i32
      "tpu.region"() ({
        %run_scoped3A_194 = tpu.sem_alloc : memref<!tpu.dma_semaphore, #tpu.memory_space<semaphore_mem>>
        %dma_start3A_195 = arith.constant 0 : i32
        %dma_start3A_196 = arith.constant 0 : i32
        %dma_start3A_197 = tpu.memref_slice %arg6[%run_scoped3A_176, %dma_start3A_195, %dma_start3A_196] : memref<2x80x128xf32, #tpu.memory_space<vmem>> -> memref<1x80x128xf32, #tpu.memory_space<vmem>>
        %dma_start3A_198 = tpu.memref_squeeze %dma_start3A_197 : memref<1x80x128xf32, #tpu.memory_space<vmem>> -> memref<80x128xf32, #tpu.memory_space<vmem>>
        %dma_start3A_199 = arith.constant 0 : i32
        %dma_start3A_200 = tpu.memref_slice %arg2[%add3A_175, %dma_start3A_199] : memref<320000x128xf32, #tpu.memory_space<hbm>> -> memref<80x128xf32, #tpu.memory_space<hbm>>
        %dma_start3A_201 = arith.constant 0 : i32
        %dma_start3A_202 = arith.constant 0 : i32
        %dma_start3A_203 = tpu.memref_slice %arg6[%run_scoped3A_176, %dma_start3A_201, %dma_start3A_202] : memref<2x80x128xf32, #tpu.memory_space<vmem>> -> memref<1x80x128xf32, #tpu.memory_space<vmem>>
        %dma_start3A_204 = tpu.memref_squeeze %dma_start3A_203 : memref<1x80x128xf32, #tpu.memory_space<vmem>> -> memref<80x128xf32, #tpu.memory_space<vmem>>
        %dma_start3A_205 = arith.constant 0 : i32
        %dma_start3A_206 = tpu.memref_slice %arg2[%add3A_175, %dma_start3A_205] : memref<320000x128xf32, #tpu.memory_space<hbm>> -> memref<80x128xf32, #tpu.memory_space<hbm>>
        tpu.enqueue_dma source(%dma_start3A_206 : memref<80x128xf32, #tpu.memory_space<hbm>>) target(%dma_start3A_204 : memref<80x128xf32, #tpu.memory_space<vmem>>) target_semaphore(%run_scoped3A_194 : memref<!tpu.dma_semaphore, #tpu.memory_space<semaphore_mem>>)
        %dma_wait3A_207 = arith.constant 0 : i32
        %dma_wait3A_208 = arith.constant 0 : i32
        %dma_wait3A_209 = tpu.memref_slice %arg6[%run_scoped3A_176, %dma_wait3A_207, %dma_wait3A_208] : memref<2x80x128xf32, #tpu.memory_space<vmem>> -> memref<1x80x128xf32, #tpu.memory_space<vmem>>
        %dma_wait3A_210 = tpu.memref_squeeze %dma_wait3A_209 : memref<1x80x128xf32, #tpu.memory_space<vmem>> -> memref<80x128xf32, #tpu.memory_space<vmem>>
        %dma_wait3A_211 = arith.constant 0 : i32
        %dma_wait3A_212 = tpu.memref_slice %arg2[%add3A_175, %dma_wait3A_211] : memref<320000x128xf32, #tpu.memory_space<hbm>> -> memref<80x128xf32, #tpu.memory_space<hbm>>
        %dma_wait3A_213 = arith.constant 0 : i32
        %dma_wait3A_214 = arith.constant 0 : i32
        %dma_wait3A_215 = tpu.memref_slice %arg6[%run_scoped3A_176, %dma_wait3A_213, %dma_wait3A_214] : memref<2x80x128xf32, #tpu.memory_space<vmem>> -> memref<1x80x128xf32, #tpu.memory_space<vmem>>
        %dma_wait3A_216 = tpu.memref_squeeze %dma_wait3A_215 : memref<1x80x128xf32, #tpu.memory_space<vmem>> -> memref<80x128xf32, #tpu.memory_space<vmem>>
        %dma_wait3A_217 = arith.constant 0 : i32
        %dma_wait3A_218 = tpu.memref_slice %arg2[%add3A_175, %dma_wait3A_217] : memref<320000x128xf32, #tpu.memory_space<hbm>> -> memref<80x128xf32, #tpu.memory_space<hbm>>
        tpu.wait_dma2 semaphore(%run_scoped3A_194 : memref<!tpu.dma_semaphore, #tpu.memory_space<semaphore_mem>>) src(%dma_wait3A_218 : memref<80x128xf32, #tpu.memory_space<hbm>>) dst(%dma_wait3A_216 : memref<80x128xf32, #tpu.memory_space<vmem>>)
        tpu.yield
      }) : () -> ()
      %dma_start3A_177 = arith.constant 1 : i32
      %dma_start3A_178 = arith.constant 0 : i32
      %dma_start3A_179 = arith.constant 0 : i32
      %dma_start3A_180 = tpu.memref_slice %arg6[%dma_start3A_177, %dma_start3A_178, %dma_start3A_179] : memref<2x80x128xf32, #tpu.memory_space<vmem>> -> memref<1x80x128xf32, #tpu.memory_space<vmem>>
      %dma_start3A_181 = tpu.memref_squeeze %dma_start3A_180 : memref<1x80x128xf32, #tpu.memory_space<vmem>> -> memref<80x128xf32, #tpu.memory_space<vmem>>
      %dma_start3A_182 = arith.constant 0 : i32
      %dma_start3A_183 = tpu.memref_slice %arg7[%add3A_167, %dma_start3A_182] : memref<125x80xi32, #tpu.memory_space<vmem>> -> memref<1x80xi32, #tpu.memory_space<vmem>>
      %dma_start3A_184 = tpu.memref_squeeze %dma_start3A_183 : memref<1x80xi32, #tpu.memory_space<vmem>> -> memref<80xi32, #tpu.memory_space<vmem>>
      %dma_start3A_185 = arith.constant 0 : i32
      %dma_start3A_186 = arith.constant 0 : i32
      %dma_start3A_187 = tpu.memref_slice %arg10[%dma_start3A_185, %dma_start3A_186] : memref<10240x128xf32, #tpu.memory_space<vmem_shared>> -> memref<10240x128xf32, #tpu.memory_space<vmem_shared>>
      tpu.enqueue_indirect_dma source(%dma_start3A_181 : memref<80x128xf32, #tpu.memory_space<vmem>>) target(%dma_start3A_187 : memref<10240x128xf32, #tpu.memory_space<vmem_shared>>) offsets(%dma_start3A_184 : memref<80xi32, #tpu.memory_space<vmem>>) semaphore(%arg13 : memref<!tpu.dma_semaphore, #tpu.memory_space<semaphore_mem>>) {add = true}
      %dma_start3A_188 = arith.constant 0 : i32
      %dma_start3A_189 = tpu.memref_slice %arg7[%add3A_167, %dma_start3A_188] : memref<125x80xi32, #tpu.memory_space<vmem>> -> memref<1x80xi32, #tpu.memory_space<vmem>>
      %dma_start3A_190 = tpu.memref_squeeze %dma_start3A_189 : memref<1x80xi32, #tpu.memory_space<vmem>> -> memref<80xi32, #tpu.memory_space<vmem>>
      %dma_start3A_191 = arith.constant 0 : i32
      %dma_start3A_192 = tpu.memref_slice %arg11[%dma_start3A_191] : memref<10240xf32, #tpu.memory_space<vmem_shared>> -> memref<10240xf32, #tpu.memory_space<vmem_shared>>
      tpu.enqueue_indirect_dma source(%arg8 : memref<80xf32, #tpu.memory_space<vmem>>) target(%dma_start3A_192 : memref<10240xf32, #tpu.memory_space<vmem_shared>>) offsets(%dma_start3A_190 : memref<80xi32, #tpu.memory_space<vmem>>) semaphore(%arg15 : memref<!tpu.dma_semaphore, #tpu.memory_space<semaphore_mem>>) {add = true}
      %scan3A_193 = arith.constant 0 : i32
      scf.yield %scan3A_193 : i32
    }
    %scan3A_55 = arith.constant 62 : i32
    %dma_wait3A = arith.constant 0 : i32
    %dma_wait3A_56 = arith.constant 0 : i32
    %dma_wait3A_57 = arith.constant 0 : i32
    %dma_wait3A_58 = tpu.memref_slice %arg6[%dma_wait3A, %dma_wait3A_56, %dma_wait3A_57] : memref<2x80x128xf32, #tpu.memory_space<vmem>> -> memref<1x80x128xf32, #tpu.memory_space<vmem>>
    %dma_wait3A_59 = tpu.memref_squeeze %dma_wait3A_58 : memref<1x80x128xf32, #tpu.memory_space<vmem>> -> memref<80x128xf32, #tpu.memory_space<vmem>>
    %dma_wait3A_60 = arith.constant 0 : i32
    %dma_wait3A_61 = arith.constant 0 : i32
    %dma_wait3A_62 = tpu.memref_slice %arg10[%dma_wait3A_60, %dma_wait3A_61] : memref<10240x128xf32, #tpu.memory_space<vmem_shared>> -> memref<80x128xf32, #tpu.memory_space<vmem_shared>>
    %dma_wait3A_63 = arith.constant 0 : i32
    %dma_wait3A_64 = arith.constant 0 : i32
    %dma_wait3A_65 = tpu.memref_slice %arg10[%dma_wait3A_63, %dma_wait3A_64] : memref<10240x128xf32, #tpu.memory_space<vmem_shared>> -> memref<80x128xf32, #tpu.memory_space<vmem_shared>>
    %dma_wait3A_66 = arith.constant 0 : i32
    %dma_wait3A_67 = arith.constant 0 : i32
    %dma_wait3A_68 = tpu.memref_slice %arg6[%dma_wait3A, %dma_wait3A_66, %dma_wait3A_67] : memref<2x80x128xf32, #tpu.memory_space<vmem>> -> memref<1x80x128xf32, #tpu.memory_space<vmem>>
    %dma_wait3A_69 = tpu.memref_squeeze %dma_wait3A_68 : memref<1x80x128xf32, #tpu.memory_space<vmem>> -> memref<80x128xf32, #tpu.memory_space<vmem>>
    tpu.wait_dma2 semaphore(%arg12 : memref<!tpu.dma_semaphore, #tpu.memory_space<semaphore_mem>>) src(%dma_wait3A_69 : memref<80x128xf32, #tpu.memory_space<vmem>>) dst(%dma_wait3A_65 : memref<80x128xf32, #tpu.memory_space<vmem_shared>>)
    %dma_wait3A_70 = arith.constant 0 : i32
    %dma_wait3A_71 = tpu.memref_slice %arg11[%dma_wait3A_70] : memref<10240xf32, #tpu.memory_space<vmem_shared>> -> memref<80xf32, #tpu.memory_space<vmem_shared>>
    %dma_wait3A_72 = arith.constant 0 : i32
    %dma_wait3A_73 = tpu.memref_slice %arg11[%dma_wait3A_72] : memref<10240xf32, #tpu.memory_space<vmem_shared>> -> memref<80xf32, #tpu.memory_space<vmem_shared>>
    tpu.wait_dma2 semaphore(%arg14 : memref<!tpu.dma_semaphore, #tpu.memory_space<semaphore_mem>>) src(%arg8 : memref<80xf32, #tpu.memory_space<vmem>>) dst(%dma_wait3A_73 : memref<80xf32, #tpu.memory_space<vmem_shared>>)
    %dma_wait3A_74 = arith.constant 1 : i32
    %dma_wait3A_75 = arith.constant 0 : i32
    %dma_wait3A_76 = arith.constant 0 : i32
    %dma_wait3A_77 = tpu.memref_slice %arg6[%dma_wait3A_74, %dma_wait3A_75, %dma_wait3A_76] : memref<2x80x128xf32, #tpu.memory_space<vmem>> -> memref<1x80x128xf32, #tpu.memory_space<vmem>>
    %dma_wait3A_78 = tpu.memref_squeeze %dma_wait3A_77 : memref<1x80x128xf32, #tpu.memory_space<vmem>> -> memref<80x128xf32, #tpu.memory_space<vmem>>
    %dma_wait3A_79 = arith.constant 0 : i32
    %dma_wait3A_80 = arith.constant 0 : i32
    %dma_wait3A_81 = tpu.memref_slice %arg10[%dma_wait3A_79, %dma_wait3A_80] : memref<10240x128xf32, #tpu.memory_space<vmem_shared>> -> memref<80x128xf32, #tpu.memory_space<vmem_shared>>
    %dma_wait3A_82 = arith.constant 0 : i32
    %dma_wait3A_83 = arith.constant 0 : i32
    %dma_wait3A_84 = tpu.memref_slice %arg10[%dma_wait3A_82, %dma_wait3A_83] : memref<10240x128xf32, #tpu.memory_space<vmem_shared>> -> memref<80x128xf32, #tpu.memory_space<vmem_shared>>
    %dma_wait3A_85 = arith.constant 0 : i32
    %dma_wait3A_86 = arith.constant 0 : i32
    %dma_wait3A_87 = tpu.memref_slice %arg6[%dma_wait3A_74, %dma_wait3A_85, %dma_wait3A_86] : memref<2x80x128xf32, #tpu.memory_space<vmem>> -> memref<1x80x128xf32, #tpu.memory_space<vmem>>
    %dma_wait3A_88 = tpu.memref_squeeze %dma_wait3A_87 : memref<1x80x128xf32, #tpu.memory_space<vmem>> -> memref<80x128xf32, #tpu.memory_space<vmem>>
    tpu.wait_dma2 semaphore(%arg13 : memref<!tpu.dma_semaphore, #tpu.memory_space<semaphore_mem>>) src(%dma_wait3A_88 : memref<80x128xf32, #tpu.memory_space<vmem>>) dst(%dma_wait3A_84 : memref<80x128xf32, #tpu.memory_space<vmem_shared>>)
    %dma_wait3A_89 = arith.constant 0 : i32
    %dma_wait3A_90 = tpu.memref_slice %arg11[%dma_wait3A_89] : memref<10240xf32, #tpu.memory_space<vmem_shared>> -> memref<80xf32, #tpu.memory_space<vmem_shared>>
    %dma_wait3A_91 = arith.constant 0 : i32
    %dma_wait3A_92 = tpu.memref_slice %arg11[%dma_wait3A_91] : memref<10240xf32, #tpu.memory_space<vmem_shared>> -> memref<80xf32, #tpu.memory_space<vmem_shared>>
    tpu.wait_dma2 semaphore(%arg15 : memref<!tpu.dma_semaphore, #tpu.memory_space<semaphore_mem>>) src(%arg8 : memref<80xf32, #tpu.memory_space<vmem>>) dst(%dma_wait3A_92 : memref<80xf32, #tpu.memory_space<vmem_shared>>)
    %add3A_93 = arith.constant 9920 : i32
    %add3A_94 = arith.addi %mul3A_48, %add3A_93 : i32
    %run_scoped3A = arith.constant 0 : i32
    "tpu.region"() ({
      %run_scoped3A_136 = tpu.sem_alloc : memref<!tpu.dma_semaphore, #tpu.memory_space<semaphore_mem>>
      %dma_start3A_137 = arith.constant 0 : i32
      %dma_start3A_138 = arith.constant 0 : i32
      %dma_start3A_139 = tpu.memref_slice %arg6[%run_scoped3A, %dma_start3A_137, %dma_start3A_138] : memref<2x80x128xf32, #tpu.memory_space<vmem>> -> memref<1x80x128xf32, #tpu.memory_space<vmem>>
      %dma_start3A_140 = tpu.memref_squeeze %dma_start3A_139 : memref<1x80x128xf32, #tpu.memory_space<vmem>> -> memref<80x128xf32, #tpu.memory_space<vmem>>
      %dma_start3A_141 = arith.constant 0 : i32
      %dma_start3A_142 = tpu.memref_slice %arg2[%add3A_94, %dma_start3A_141] : memref<320000x128xf32, #tpu.memory_space<hbm>> -> memref<80x128xf32, #tpu.memory_space<hbm>>
      %dma_start3A_143 = arith.constant 0 : i32
      %dma_start3A_144 = arith.constant 0 : i32
      %dma_start3A_145 = tpu.memref_slice %arg6[%run_scoped3A, %dma_start3A_143, %dma_start3A_144] : memref<2x80x128xf32, #tpu.memory_space<vmem>> -> memref<1x80x128xf32, #tpu.memory_space<vmem>>
      %dma_start3A_146 = tpu.memref_squeeze %dma_start3A_145 : memref<1x80x128xf32, #tpu.memory_space<vmem>> -> memref<80x128xf32, #tpu.memory_space<vmem>>
      %dma_start3A_147 = arith.constant 0 : i32
      %dma_start3A_148 = tpu.memref_slice %arg2[%add3A_94, %dma_start3A_147] : memref<320000x128xf32, #tpu.memory_space<hbm>> -> memref<80x128xf32, #tpu.memory_space<hbm>>
      tpu.enqueue_dma source(%dma_start3A_148 : memref<80x128xf32, #tpu.memory_space<hbm>>) target(%dma_start3A_146 : memref<80x128xf32, #tpu.memory_space<vmem>>) target_semaphore(%run_scoped3A_136 : memref<!tpu.dma_semaphore, #tpu.memory_space<semaphore_mem>>)
      %dma_wait3A_149 = arith.constant 0 : i32
      %dma_wait3A_150 = arith.constant 0 : i32
      %dma_wait3A_151 = tpu.memref_slice %arg6[%run_scoped3A, %dma_wait3A_149, %dma_wait3A_150] : memref<2x80x128xf32, #tpu.memory_space<vmem>> -> memref<1x80x128xf32, #tpu.memory_space<vmem>>
      %dma_wait3A_152 = tpu.memref_squeeze %dma_wait3A_151 : memref<1x80x128xf32, #tpu.memory_space<vmem>> -> memref<80x128xf32, #tpu.memory_space<vmem>>
      %dma_wait3A_153 = arith.constant 0 : i32
      %dma_wait3A_154 = tpu.memref_slice %arg2[%add3A_94, %dma_wait3A_153] : memref<320000x128xf32, #tpu.memory_space<hbm>> -> memref<80x128xf32, #tpu.memory_space<hbm>>
      %dma_wait3A_155 = arith.constant 0 : i32
      %dma_wait3A_156 = arith.constant 0 : i32
      %dma_wait3A_157 = tpu.memref_slice %arg6[%run_scoped3A, %dma_wait3A_155, %dma_wait3A_156] : memref<2x80x128xf32, #tpu.memory_space<vmem>> -> memref<1x80x128xf32, #tpu.memory_space<vmem>>
      %dma_wait3A_158 = tpu.memref_squeeze %dma_wait3A_157 : memref<1x80x128xf32, #tpu.memory_space<vmem>> -> memref<80x128xf32, #tpu.memory_space<vmem>>
      %dma_wait3A_159 = arith.constant 0 : i32
      %dma_wait3A_160 = tpu.memref_slice %arg2[%add3A_94, %dma_wait3A_159] : memref<320000x128xf32, #tpu.memory_space<hbm>> -> memref<80x128xf32, #tpu.memory_space<hbm>>
      tpu.wait_dma2 semaphore(%run_scoped3A_136 : memref<!tpu.dma_semaphore, #tpu.memory_space<semaphore_mem>>) src(%dma_wait3A_160 : memref<80x128xf32, #tpu.memory_space<hbm>>) dst(%dma_wait3A_158 : memref<80x128xf32, #tpu.memory_space<vmem>>)
      tpu.yield
    }) : () -> ()
    %dma_start3A = arith.constant 0 : i32
    %dma_start3A_95 = arith.constant 124 : i32
    %dma_start3A_96 = arith.constant 0 : i32
    %dma_start3A_97 = arith.constant 0 : i32
    %dma_start3A_98 = tpu.memref_slice %arg6[%dma_start3A, %dma_start3A_96, %dma_start3A_97] : memref<2x80x128xf32, #tpu.memory_space<vmem>> -> memref<1x80x128xf32, #tpu.memory_space<vmem>>
    %dma_start3A_99 = tpu.memref_squeeze %dma_start3A_98 : memref<1x80x128xf32, #tpu.memory_space<vmem>> -> memref<80x128xf32, #tpu.memory_space<vmem>>
    %dma_start3A_100 = arith.constant 0 : i32
    %dma_start3A_101 = tpu.memref_slice %arg7[%dma_start3A_95, %dma_start3A_100] : memref<125x80xi32, #tpu.memory_space<vmem>> -> memref<1x80xi32, #tpu.memory_space<vmem>>
    %dma_start3A_102 = tpu.memref_squeeze %dma_start3A_101 : memref<1x80xi32, #tpu.memory_space<vmem>> -> memref<80xi32, #tpu.memory_space<vmem>>
    %dma_start3A_103 = arith.constant 0 : i32
    %dma_start3A_104 = arith.constant 0 : i32
    %dma_start3A_105 = tpu.memref_slice %arg10[%dma_start3A_103, %dma_start3A_104] : memref<10240x128xf32, #tpu.memory_space<vmem_shared>> -> memref<10240x128xf32, #tpu.memory_space<vmem_shared>>
    tpu.enqueue_indirect_dma source(%dma_start3A_99 : memref<80x128xf32, #tpu.memory_space<vmem>>) target(%dma_start3A_105 : memref<10240x128xf32, #tpu.memory_space<vmem_shared>>) offsets(%dma_start3A_102 : memref<80xi32, #tpu.memory_space<vmem>>) semaphore(%arg12 : memref<!tpu.dma_semaphore, #tpu.memory_space<semaphore_mem>>) {add = true}
    %dma_start3A_106 = arith.constant 124 : i32
    %dma_start3A_107 = arith.constant 0 : i32
    %dma_start3A_108 = tpu.memref_slice %arg7[%dma_start3A_106, %dma_start3A_107] : memref<125x80xi32, #tpu.memory_space<vmem>> -> memref<1x80xi32, #tpu.memory_space<vmem>>
    %dma_start3A_109 = tpu.memref_squeeze %dma_start3A_108 : memref<1x80xi32, #tpu.memory_space<vmem>> -> memref<80xi32, #tpu.memory_space<vmem>>
    %dma_start3A_110 = arith.constant 0 : i32
    %dma_start3A_111 = tpu.memref_slice %arg11[%dma_start3A_110] : memref<10240xf32, #tpu.memory_space<vmem_shared>> -> memref<10240xf32, #tpu.memory_space<vmem_shared>>
    tpu.enqueue_indirect_dma source(%arg8 : memref<80xf32, #tpu.memory_space<vmem>>) target(%dma_start3A_111 : memref<10240xf32, #tpu.memory_space<vmem_shared>>) offsets(%dma_start3A_109 : memref<80xi32, #tpu.memory_space<vmem>>) semaphore(%arg14 : memref<!tpu.dma_semaphore, #tpu.memory_space<semaphore_mem>>) {add = true}
    %dma_wait3A_112 = arith.constant 0 : i32
    %dma_wait3A_113 = arith.constant 0 : i32
    %dma_wait3A_114 = arith.constant 0 : i32
    %dma_wait3A_115 = tpu.memref_slice %arg6[%dma_wait3A_112, %dma_wait3A_113, %dma_wait3A_114] : memref<2x80x128xf32, #tpu.memory_space<vmem>> -> memref<1x80x128xf32, #tpu.memory_space<vmem>>
    %dma_wait3A_116 = tpu.memref_squeeze %dma_wait3A_115 : memref<1x80x128xf32, #tpu.memory_space<vmem>> -> memref<80x128xf32, #tpu.memory_space<vmem>>
    %dma_wait3A_117 = arith.constant 0 : i32
    %dma_wait3A_118 = arith.constant 0 : i32
    %dma_wait3A_119 = tpu.memref_slice %arg10[%dma_wait3A_117, %dma_wait3A_118] : memref<10240x128xf32, #tpu.memory_space<vmem_shared>> -> memref<80x128xf32, #tpu.memory_space<vmem_shared>>
    %dma_wait3A_120 = arith.constant 0 : i32
    %dma_wait3A_121 = arith.constant 0 : i32
    %dma_wait3A_122 = tpu.memref_slice %arg10[%dma_wait3A_120, %dma_wait3A_121] : memref<10240x128xf32, #tpu.memory_space<vmem_shared>> -> memref<80x128xf32, #tpu.memory_space<vmem_shared>>
    %dma_wait3A_123 = arith.constant 0 : i32
    %dma_wait3A_124 = arith.constant 0 : i32
    %dma_wait3A_125 = tpu.memref_slice %arg6[%dma_wait3A_112, %dma_wait3A_123, %dma_wait3A_124] : memref<2x80x128xf32, #tpu.memory_space<vmem>> -> memref<1x80x128xf32, #tpu.memory_space<vmem>>
    %dma_wait3A_126 = tpu.memref_squeeze %dma_wait3A_125 : memref<1x80x128xf32, #tpu.memory_space<vmem>> -> memref<80x128xf32, #tpu.memory_space<vmem>>
    tpu.wait_dma2 semaphore(%arg12 : memref<!tpu.dma_semaphore, #tpu.memory_space<semaphore_mem>>) src(%dma_wait3A_126 : memref<80x128xf32, #tpu.memory_space<vmem>>) dst(%dma_wait3A_122 : memref<80x128xf32, #tpu.memory_space<vmem_shared>>)
    %dma_wait3A_127 = arith.constant 0 : i32
    %dma_wait3A_128 = tpu.memref_slice %arg11[%dma_wait3A_127] : memref<10240xf32, #tpu.memory_space<vmem_shared>> -> memref<80xf32, #tpu.memory_space<vmem_shared>>
    %dma_wait3A_129 = arith.constant 0 : i32
    %dma_wait3A_130 = tpu.memref_slice %arg11[%dma_wait3A_129] : memref<10240xf32, #tpu.memory_space<vmem_shared>> -> memref<80xf32, #tpu.memory_space<vmem_shared>>
    tpu.wait_dma2 semaphore(%arg14 : memref<!tpu.dma_semaphore, #tpu.memory_space<semaphore_mem>>) src(%arg8 : memref<80xf32, #tpu.memory_space<vmem>>) dst(%dma_wait3A_130 : memref<80xf32, #tpu.memory_space<vmem_shared>>)
    %barrier3A_131 = arith.constant 0 : index
    tpu.barrier barrier_id(%barrier3A_131)
    "tpu.region"() ({
      %run_scoped3A_136 = tpu.sem_alloc : memref<!tpu.dma_semaphore, #tpu.memory_space<semaphore_mem>>
      %dma_start3A_137 = arith.constant 0 : i32
      %dma_start3A_138 = tpu.memref_slice %arg4[%arg0, %mul3A_35, %dma_start3A_137] : memref<2x10240x128xf32, #tpu.memory_space<hbm>> -> memref<1x640x128xf32, #tpu.memory_space<hbm>>
      %dma_start3A_139 = tpu.memref_squeeze %dma_start3A_138 : memref<1x640x128xf32, #tpu.memory_space<hbm>> -> memref<640x128xf32, #tpu.memory_space<hbm>>
      %dma_start3A_140 = arith.constant 0 : i32
      %dma_start3A_141 = tpu.memref_slice %arg10[%mul3A_35, %dma_start3A_140] : memref<10240x128xf32, #tpu.memory_space<vmem_shared>> -> memref<640x128xf32, #tpu.memory_space<vmem_shared>>
      tpu.enqueue_dma source(%dma_start3A_141 : memref<640x128xf32, #tpu.memory_space<vmem_shared>>) target(%dma_start3A_139 : memref<640x128xf32, #tpu.memory_space<hbm>>) target_semaphore(%run_scoped3A_136 : memref<!tpu.dma_semaphore, #tpu.memory_space<semaphore_mem>>)
      %dma_wait3A_142 = arith.constant 0 : i32
      %dma_wait3A_143 = tpu.memref_slice %arg4[%arg0, %mul3A_35, %dma_wait3A_142] : memref<2x10240x128xf32, #tpu.memory_space<hbm>> -> memref<1x640x128xf32, #tpu.memory_space<hbm>>
      %dma_wait3A_144 = tpu.memref_squeeze %dma_wait3A_143 : memref<1x640x128xf32, #tpu.memory_space<hbm>> -> memref<640x128xf32, #tpu.memory_space<hbm>>
      %dma_wait3A_145 = arith.constant 0 : i32
      %dma_wait3A_146 = tpu.memref_slice %arg10[%mul3A_35, %dma_wait3A_145] : memref<10240x128xf32, #tpu.memory_space<vmem_shared>> -> memref<640x128xf32, #tpu.memory_space<vmem_shared>>
      tpu.wait_dma2 semaphore(%run_scoped3A_136 : memref<!tpu.dma_semaphore, #tpu.memory_space<semaphore_mem>>) src(%dma_wait3A_146 : memref<640x128xf32, #tpu.memory_space<vmem_shared>>) dst(%dma_wait3A_144 : memref<640x128xf32, #tpu.memory_space<hbm>>)
      tpu.yield
    }) : () -> ()
    %mul3A_132 = arith.constant 640 : i32
    %mul3A_133 = arith.muli %arg1, %mul3A_132 : i32
    %mul3A_134 = arith.constant 640 : i32
    %mul3A_135 = arith.muli %arg1, %mul3A_134 : i32
    "tpu.region"() ({
      %run_scoped3A_136 = tpu.sem_alloc : memref<!tpu.dma_semaphore, #tpu.memory_space<semaphore_mem>>
      %dma_start3A_137 = tpu.memref_slice %arg5[%arg0, %mul3A_135] : memref<2x10240xf32, #tpu.memory_space<hbm>> -> memref<1x640xf32, #tpu.memory_space<hbm>>
      %dma_start3A_138 = tpu.memref_squeeze %dma_start3A_137 : memref<1x640xf32, #tpu.memory_space<hbm>> -> memref<640xf32, #tpu.memory_space<hbm>>
      %dma_start3A_139 = tpu.memref_slice %arg11[%mul3A_133] : memref<10240xf32, #tpu.memory_space<vmem_shared>> -> memref<640xf32, #tpu.memory_space<vmem_shared>>
      tpu.enqueue_dma source(%dma_start3A_139 : memref<640xf32, #tpu.memory_space<vmem_shared>>) target(%dma_start3A_138 : memref<640xf32, #tpu.memory_space<hbm>>) target_semaphore(%run_scoped3A_136 : memref<!tpu.dma_semaphore, #tpu.memory_space<semaphore_mem>>)
      %dma_wait3A_140 = tpu.memref_slice %arg5[%arg0, %mul3A_135] : memref<2x10240xf32, #tpu.memory_space<hbm>> -> memref<1x640xf32, #tpu.memory_space<hbm>>
      %dma_wait3A_141 = tpu.memref_squeeze %dma_wait3A_140 : memref<1x640xf32, #tpu.memory_space<hbm>> -> memref<640xf32, #tpu.memory_space<hbm>>
      %dma_wait3A_142 = tpu.memref_slice %arg11[%mul3A_133] : memref<10240xf32, #tpu.memory_space<vmem_shared>> -> memref<640xf32, #tpu.memory_space<vmem_shared>>
      tpu.wait_dma2 semaphore(%run_scoped3A_136 : memref<!tpu.dma_semaphore, #tpu.memory_space<semaphore_mem>>) src(%dma_wait3A_142 : memref<640xf32, #tpu.memory_space<vmem_shared>>) dst(%dma_wait3A_141 : memref<640xf32, #tpu.memory_space<hbm>>)
      tpu.yield
    }) : () -> ()
    return
  }
}

module attributes {stable_mosaic.version = 14 : i64} {
  func.func @tc_kernel(%arg0: i32, %arg1: memref<1024x128xf32, #tpu.memory_space<vmem>>, %arg2: memref<2x1024x128xf32, #tpu.memory_space<vmem>>, %arg3: memref<2x10240xf32, #tpu.memory_space<vmem>>, %arg4: memref<128x128xf32, #tpu.memory_space<vmem>>, %arg5: memref<128x128xf32, #tpu.memory_space<vmem>>, %arg6: memref<1024x128xf32, #tpu.memory_space<vmem>>) attributes {dimension_semantics = [#tpu.dimension_semantics<arbitrary>], iteration_bounds = array<i64: 10>, scalar_prefetch = 0 : i64, scratch_operands = 0 : i64, tpu.core_type = #tpu.core_type<tc>, window_params = [{transform_indices = @transform_0, window_bounds = array<i64: 1024, 128>}, {transform_indices = @transform_1, window_bounds = array<i64: 2, 1024, 128>}, {pipeline_mode = #tpu.pipeline_mode<synchronous>, transform_indices = @transform_2, window_bounds = array<i64: 2, 10240>}, {pipeline_mode = #tpu.pipeline_mode<synchronous>, transform_indices = @transform_3, window_bounds = array<i64: 128, 128>}, {pipeline_mode = #tpu.pipeline_mode<synchronous>, transform_indices = @transform_4, window_bounds = array<i64: 128, 128>}, {transform_indices = @transform_5, window_bounds = array<i64: 1024, 128>}]} {
    %get3A = arith.constant 0 : index
    %get3A_0 = arith.constant 0 : index
    %get3A_1 = arith.constant 0 : index
    %get3A_2 = vector.load %arg2[%get3A, %get3A_0, %get3A_1] : memref<2x1024x128xf32, #tpu.memory_space<vmem>>, vector<1x1024x128xf32>
    %get3A_3 = vector.shape_cast %get3A_2 : vector<1x1024x128xf32> to vector<1024x128xf32>
    %get3A_4 = arith.constant 1 : index
    %get3A_5 = arith.constant 0 : index
    %get3A_6 = arith.constant 0 : index
    %get3A_7 = vector.load %arg2[%get3A_4, %get3A_5, %get3A_6] : memref<2x1024x128xf32, #tpu.memory_space<vmem>>, vector<1x1024x128xf32>
    %get3A_8 = vector.shape_cast %get3A_7 : vector<1x1024x128xf32> to vector<1024x128xf32>
    %add3A = arith.addf %get3A_3, %get3A_8 : vector<1024x128xf32>
    %mul3A = arith.constant 1024 : i32
    %mul3A_9 = arith.muli %arg0, %mul3A : i32
    %get3A_10 = arith.constant 0 : index
    %get3A_11 = arith.index_cast %mul3A_9 : i32 to index
    %get3A_12 = vector.load %arg3[%get3A_10, %get3A_11] : memref<2x10240xf32, #tpu.memory_space<vmem>>, vector<1x1024xf32>
    %get3A_13 = vector.shape_cast %get3A_12 : vector<1x1024xf32> to vector<1024xf32>
    %mul3A_14 = arith.constant 1024 : i32
    %mul3A_15 = arith.muli %arg0, %mul3A_14 : i32
    %get3A_16 = arith.constant 1 : index
    %get3A_17 = arith.index_cast %mul3A_15 : i32 to index
    %get3A_18 = vector.load %arg3[%get3A_16, %get3A_17] : memref<2x10240xf32, #tpu.memory_space<vmem>>, vector<1x1024xf32>
    %get3A_19 = vector.shape_cast %get3A_18 : vector<1x1024xf32> to vector<1024xf32>
    %add3A_20 = arith.addf %get3A_13, %get3A_19 : vector<1024xf32>
    %max3A = arith.constant 1.000000e+00 : f32
    %max3A_21 = vector.broadcast %max3A : f32 to vector<1024xf32>
    %max3A_22 = arith.maximumf %add3A_20, %max3A_21 : vector<1024xf32>
    %div3A = arith.constant 1.000000e+00 : f32
    %div3A_23 = vector.broadcast %div3A : f32 to vector<1024xf32>
    %div3A_24 = arith.divf %div3A_23, %max3A_22 : vector<1024xf32>
    %broadcast_in_dim3A = vector.shape_cast %div3A_24 : vector<1024xf32> to vector<1024x1xf32>
    %mul3A_25 = vector.broadcast %broadcast_in_dim3A : vector<1024x1xf32> to vector<1024x128xf32>
    %mul3A_26 = arith.mulf %add3A, %mul3A_25 : vector<1024x128xf32>
    %get3A_27 = arith.constant 0 : index
    %get3A_28 = arith.constant 0 : index
    %get3A_29 = vector.load %arg1[%get3A_27, %get3A_28] : memref<1024x128xf32, #tpu.memory_space<vmem>>, vector<1024x128xf32>
    %get3A_30 = arith.constant 0 : index
    %get3A_31 = arith.constant 0 : index
    %get3A_32 = vector.load %arg4[%get3A_30, %get3A_31] : memref<128x128xf32, #tpu.memory_space<vmem>>, vector<128x128xf32>
    %dot_general3A = arith.constant dense<0.000000e+00> : vector<1024x128xf32>
    %dot_general3A_33 = tpu.matmul %get3A_29, %get3A_32, %dot_general3A {dimension_numbers = #tpu.dot_dimension_numbers<[1], [1], [0], [0], [0, 0, 1, 0], [], []>, transpose_lhs_hint = false} : vector<1024x128xf32>, vector<128x128xf32>, vector<1024x128xf32> -> vector<1024x128xf32>
    %get3A_34 = arith.constant 0 : index
    %get3A_35 = arith.constant 0 : index
    %get3A_36 = vector.load %arg5[%get3A_34, %get3A_35] : memref<128x128xf32, #tpu.memory_space<vmem>>, vector<128x128xf32>
    %dot_general3A_37 = arith.constant dense<0.000000e+00> : vector<1024x128xf32>
    %dot_general3A_38 = tpu.matmul %mul3A_26, %get3A_36, %dot_general3A_37 {dimension_numbers = #tpu.dot_dimension_numbers<[1], [1], [0], [0], [0, 0, 1, 0], [], []>, transpose_lhs_hint = false} : vector<1024x128xf32>, vector<128x128xf32>, vector<1024x128xf32> -> vector<1024x128xf32>
    %add3A_39 = arith.addf %dot_general3A_33, %dot_general3A_38 : vector<1024x128xf32>
    %swap3A = arith.constant 0 : index
    %swap3A_40 = arith.constant 0 : index
    %swap3A_41 = vector.load %arg6[%swap3A, %swap3A_40] : memref<1024x128xf32, #tpu.memory_space<vmem>>, vector<1024x128xf32>
    tpu.vector_store %arg6[%swap3A, %swap3A_40], %add3A_39 {strides = array<i32>} : memref<1024x128xf32, #tpu.memory_space<vmem>>, vector<1024x128xf32>,
    return
  }
  func.func @transform_0(%arg0: i32) -> (i32, i32) {
    %c0_i32 = arith.constant 0 : i32
    %c0_i32_0 = arith.constant 0 : i32
    return %arg0, %c0_i32 : i32, i32
  }
  func.func @transform_1(%arg0: i32) -> (i32, i32, i32) {
    %c0_i32 = arith.constant 0 : i32
    %c0_i32_0 = arith.constant 0 : i32
    %c0_i32_1 = arith.constant 0 : i32
    return %c0_i32, %arg0, %c0_i32_0 : i32, i32, i32
  }
  func.func @transform_2(%arg0: i32) -> (i32, i32) {
    %c0_i32 = arith.constant 0 : i32
    %c0_i32_0 = arith.constant 0 : i32
    %c0_i32_1 = arith.constant 0 : i32
    return %c0_i32, %c0_i32_0 : i32, i32
  }
  func.func @transform_3(%arg0: i32) -> (i32, i32) {
    %c0_i32 = arith.constant 0 : i32
    %c0_i32_0 = arith.constant 0 : i32
    %c0_i32_1 = arith.constant 0 : i32
    return %c0_i32, %c0_i32_0 : i32, i32
  }
  func.func @transform_4(%arg0: i32) -> (i32, i32) {
    %c0_i32 = arith.constant 0 : i32
    %c0_i32_0 = arith.constant 0 : i32
    %c0_i32_1 = arith.constant 0 : i32
    return %c0_i32, %c0_i32_0 : i32, i32
  }
  func.func @transform_5(%arg0: i32) -> (i32, i32) {
    %c0_i32 = arith.constant 0 : i32
    %c0_i32_0 = arith.constant 0 : i32
    return %arg0, %c0_i32 : i32, i32
  }
}

</mosaic_0001>

<sc_bundles>
// kernel: kernel.4.cloned.1.call-start
scs
__scs_entry_jumppad:
0x0: {  	(pc) =	sbr.rel $0x88, $3  }
0x1: {  	(tag) =	ssettag $0x0;
	lr =	simm.s32 $0x1  }
0x2: {  	[smem:$0x3F9D] =	sst lr;
	_ =	strace $0xD0000000  }
0x3: {  	_ = 	snop  }
0x4: {  	_ = 	snop  }
0x5: {  	_ = 	snop  }
0x6: {  	_ = 	snop  }
0x7: {  	_ = 	snop  }
__scs_overlays_trampoline_lowered:
0x8: {  	[smem:$0x3FAC] =	sst s0  }
0x9: {  	[smem:$0x3FAD] =	sst s1  }
0xa: {  	[smem:$0x3FAE] =	sst s2  }
0xb: {  	[smem:$0x3FAF] =	sst s3  }
0xc: {  	[smem:$0x3FB0] =	sst s4  }
0xd: {  	[smem:$0x3FB1] =	sst s5  }
0xe: {  	[smem:$0x3FB2] =	sst s6  }
0xf: {  	[smem:$0x3FB3] =	sst s7  }
0x10: {  	[smem:$0x3FB4] =	sst s8  }
0x11: {  	[smem:$0x3FB5] =	sst s9;
	s0 =	simm.s32 @!p0 $0x0  }
0x12: {  	s1 =	sld [smem:$0x3F9B];
	s0 =	simm.s32 @p0 $0x1  }
0x13: {  	[smem:$0x3FB6] =	sst s0;
	s0 =	simm.s32 @!p1 $0x0  }
0x14: {  	s2 =	sld [smem:$0x3F9A];
	s0 =	simm.s32 @p1 $0x1  }
0x15: {  	[smem:$0x3FB7] =	sst s0;
	s0 =	simm.s32 @!p2 $0x0  }
0x16: {  	s3 =	sld [smem:$0x3FDB];
	s0 =	simm.s32 @p2 $0x1  }
0x17: {  	s4 =	simm.s32 $0x1BF5;
	[smem:$0x3FB9] =	sst s0  }
0x18: {  	s0 =	sld [smem:$0x3F9C];
	_ =	swait.ge [sflag:s4], $0x0  }
0x19: {  	s7 =	sld [smem:$0x3F9D]  }
0x1a: {  	s8 =	sadd.s32 $0xFFFFE003, lr  }
0x1b: {  	s9 =	sadd.s32 $0xFFFFFEF7, lr;
	s5 =	simm.s32 $0xFFFFFFFF;
	p2 =	slt.u32 s8, $0xFFFFF086  }
0x1c: {  	p1 =	slt.u32 s9, $0xF7A;
	s5 =	simm.s32 @!p2 $0x0  }
0x1d: {  	s5 =	simm.s32 @p1 $0x1;
	p0 =	seq.s32 s7, s2  }
0x1e: {  	s7 =	smul.u32 @!p0 $0xF7A, s2;
	p2 =	seq.s32 @!p0 s5, $0x0  }
0x1f: {  	s9 =	smul.u32 $0xF7A, s1;
	s8 =	simm.s32 @!p0 $0x1BF5;
	p2 =	por !p2, p0  }
0x20: {  	[sflag:s8] =	ssyncset.s32 @!p0 $0xFFFFF086;
	s6 =	sadd.s32 @!p0 s3, s7;
	s7 =	simm.s32 @!p0 $0x108  }
0x21: {  	s3 =	sadd.s32 s3, s9;
	s6 =	sadd.s32 @!p0 $0x88, s6;
	s7 =	simm.s32 @p2 $0x1082  }
0x22: {  	[simem:s7], [sflag:s8] =	dma.local @!p0 [hbm:s6], $0xF7A  }
0x23: {  	s9 =	sor.u32 $0xD0000000, s2;
	s6 =	simm.s32 $0x108;
	_ =	swait.ge @!p0 [sflag:s8], $0x0  }
0x24: {  	s3 =	sadd.s32 $0x88, s3;
	s6 =	simm.s32 @!p1 $0x1082;
	[sflag:s4] =	ssyncset.s32 $0xFFFFF086  }
0x25: {  	[simem:s6], [sflag:s4] =	dma.local [hbm:s3], $0xF7A  }
0x26: {  	[smem:$0x3F9D] =	sst s1;
	(tag) =	ssettag s2;
	_ =	strace s9  }
0x27: {  	s1 =	sld [smem:$0x3FAD]  }
0x28: {  	s2 =	sld [smem:$0x3FAE]  }
0x29: {  	s4 =	sld [smem:$0x3FB0]  }
0x2a: {  	p0 =	seq.s32 s5, $0x0;
	s5 =	sld [smem:$0x3FB1]  }
0x2b: {  	s6 =	sld [smem:$0x3FB2]  }
0x2c: {  	s7 =	sld [smem:$0x3FB3]  }
0x2d: {  	s3 =	simm.s32 $0x108;
	s8 =	sld [smem:$0x3FB4]  }
0x2e: {  	s3 =	simm.s32 @!p0 $0x1082;
	s9 =	sld [smem:$0x3FB5]  }
0x2f: {  	lr =	sadd.s32 s0, s3;
	s0 =	sld [smem:$0x3FAC]  }
0x30: {  	s3 =	sld [smem:$0x3FAF]  }
0x31: {  	[smem:$0x3FB8] =	sst s10  }
0x32: {  	s10 =	sld [smem:$0x3FB6];
	_ =	sdelay $0x3  }
0x33: {  	p0 =	seq.s32 s10, $0x1;
	s10 =	sld [smem:$0x3FB8];
	_ =	sdelay $0x3  }
0x34: {  	[smem:$0x3FB8] =	sst s10  }
0x35: {  	s10 =	sld [smem:$0x3FB7];
	_ =	sdelay $0x3  }
0x36: {  	p1 =	seq.s32 s10, $0x1;
	s10 =	sld [smem:$0x3FB8];
	_ =	sdelay $0x3  }
0x37: {  	[smem:$0x3FB8] =	sst s10  }
0x38: {  	s10 =	sld [smem:$0x3FB9]  }
0x39: {  	_ = 	snop;
	(pc) =	sbr.ind lr, $3  }
0x3a: {  	_ = 	snop  }
0x3b: {  	_ = 	snop  }
0x3c: {  	p2 =	seq.s32 s10, $0x1;
	s10 =	sld [smem:$0x3FB8]  }
0x3d: {  	_ =	shalt  }
0x3e: {  	_ =	shalt  }
0x3f: {  	_ =	shalt  }
0x40: {  	_ =	shalt  }
0x41: {  	_ =	shalt  }
0x42: {  	_ =	shalt  }
0x43: {  	_ =	shalt  }
0x44: {  	_ =	shalt  }
0x45: {  	_ =	shalt  }
0x46: {  	_ =	shalt  }
0x47: {  	_ =	shalt  }
0x48: {  	_ =	shalt  }
0x49: {  	_ =	shalt  }
0x4a: {  	_ =	shalt  }
0x4b: {  	_ =	shalt  }
0x4c: {  	_ =	shalt  }
0x4d: {  	_ =	shalt  }
0x4e: {  	_ =	shalt  }
0x4f: {  	_ =	shalt  }
0x50: {  	_ =	shalt  }
0x51: {  	_ =	shalt  }
0x52: {  	_ =	shalt  }
0x53: {  	_ =	shalt  }
0x54: {  	_ =	shalt  }
0x55: {  	_ =	shalt  }
0x56: {  	_ =	shalt  }
0x57: {  	_ =	shalt  }
0x58: {  	_ =	shalt  }
0x59: {  	_ =	shalt  }
0x5a: {  	_ =	shalt  }
0x5b: {  	_ =	shalt  }
0x5c: {  	_ =	shalt  }
0x5d: {  	_ =	shalt  }
0x5e: {  	_ =	shalt  }
0x5f: {  	_ =	shalt  }
0x60: {  	_ =	shalt  }
0x61: {  	_ =	shalt  }
0x62: {  	_ =	shalt  }
0x63: {  	_ =	shalt  }
0x64: {  	_ =	shalt  }
0x65: {  	_ =	shalt  }
0x66: {  	_ =	shalt  }
0x67: {  	_ =	shalt  }
0x68: {  	_ =	shalt  }
0x69: {  	_ =	shalt  }
0x6a: {  	_ =	shalt  }
0x6b: {  	_ =	shalt  }
0x6c: {  	_ =	shalt  }
0x6d: {  	_ =	shalt  }
0x6e: {  	_ =	shalt  }
0x6f: {  	_ =	shalt  }
0x70: {  	_ =	shalt  }
0x71: {  	_ =	shalt  }
0x72: {  	_ =	shalt  }
0x73: {  	_ =	shalt  }
0x74: {  	_ =	shalt  }
0x75: {  	_ =	shalt  }
0x76: {  	_ =	shalt  }
0x77: {  	_ =	shalt  }
0x78: {  	_ =	shalt  }
0x79: {  	_ =	shalt  }
0x7a: {  	_ =	shalt  }
0x7b: {  	_ =	shalt  }
0x7c: {  	_ =	shalt  }
0x7d: {  	_ =	shalt  }
0x7e: {  	_ =	shalt  }
0x7f: {  	_ =	shalt  }
0x80: {  	_ =	shalt  }
0x81: {  	_ =	shalt  }
0x82: {  	_ =	shalt  }
0x83: {  	_ =	shalt  }
0x84: {  	_ =	shalt  }
0x85: {  	_ =	shalt  }
0x86: {  	_ =	shalt  }
0x87: {  	_ =	shalt  }
.Lfunc_end0:
.L_simem_size_0:
called_computation_lowered:
.L_overlay_start_0:
0x88: {  	s2 =	sld [smem:$0x3FD9]  }
0x89: {  	s3 =	sld [smem:$0x3FFE];
	_ =	sdelay $0x1  }
0x8a: {  	s1 =	srdreg.scid  }
0x8b: {  	s0 =	sand.u32 $0x1, s1  }
0x8c: {  	s17 =	sshll.u32 s0, $0xA;
	s2 =	sadd.s32 s3, s2  }
0x8d: {  	s2 =	sadd.s32 s2, s17  }
0x8e: {  	[smem:$0x3FC4] =	sst s2  }
0x8f: {  	_ = 	snop  }
0x90: {  	s2 =	sld [smem:$0x3FC8]  }
0x91: {  	s18 =	sld [smem:$0x3FD0];
	(tm) =	ssettm $0x1  }
0x92: {  	s4 =	sld [smem:$0x3FFB];
	_ =	sdelay $0x3  }
0x93: {  	_ =	strace s4  }
0x94: {  	s4 =	sld [smem:$0x3FFC];
	_ =	sdelay $0x3  }
0x95: {  	_ =	strace s4  }
0x96: {  	s4 =	sld [smem:$0x3FFD];
	_ =	sdelay $0x3  }
0x97: {  	_ =	strace s4  }
0x98: {  	_ =	strace $0x8FFFFFFF  }
0x99: {  	s19 =	sld [smem:$0x3FDB];
	_ =	sdelay $0x1  }
0x9a: {  	s5 =	simm.s32 $_scs_section_size  }
0x9b: {  	s6 =	simm.s32 $_size__tile_overlayer_lowered;
	s7 =	simm.s32 $_tile_overlayer_lowered  }
0x9c: {  	s22 =	simm.s32 $0x1BFF;
	s21 =	sshll.u32 s7, $0x1;
	s4 =	sadd.s32 s5, s19  }
0x9d: {  	s8 =	simm.s32 $0x0;
	s20 =	sshll.u32 s6, $0x1;
	s6 =	sadd.s32 s21, s4  }
0x9e: {  	[timem:s8], [sflag:s22] =	dma.local [hbm:s6], s20  }
0x9f: {  	_ =	swait.ge [sflag:s22], s20  }
0xa0: {  	s5 =	ssub.s32 $0x0, s20;
	[sflag:s22] =	ssyncset.done $0x0  }
0xa1: {  	[sflag:s22] =	ssyncadd.s32 s5;
	_ =	sdelay $0x1  }
0xa2: {  	s23 =	simm.s32 $0x1B8B  }
0xa3: {  	_ =	swait.ge [sflag:s23], $0x1  }
0xa4: {  	[sflag:s23] =	ssyncset.done $0x0  }
0xa5: {  	s25 =	simm.s32 $0x1B8E;
	s24 =	sld [smem:$0x3FFE];
	[sflag:s23] =	ssyncadd.s32 $0xFFFFFFFF  }
0xa6: {  	s26 =	simm.s32 $execute0_lowered;
	[smem:$0x3FD2] =	sst s25  }
0xa7: {  	s6 =	sshll.u32 s26, $0x1;
	_ =	strace $0x80000046;
	[dreg:$0x1] =	wrdreg $0xFFFFFFFF  }
0xa8: {  	s28 =	simm.s32 $_size_execute0_lowered;
	s4 =	sadd.s32 s4, s6;
	[dreg:$0x0] =	wrdreg $0x0  }
0xa9: {  	s6 =	sshll.u32 s28, $0x1;
	[dreg:$0x2] =	wrdreg s4  }
0xaa: {  	[dreg:$0x3] =	wrdreg s6  }
0xab: {  	[dreg:$0x4] =	wrdreg $0xC0  }
0xac: {  	_ =	task [dreg:s8], $0x5FFFF  }
0xad: {  	[dreg:$0x1] =	wrdreg $0xFFFFFFFF  }
0xae: {  	[dreg:$0x0] =	wrdreg $0x60  }
0xaf: {  	[dreg:$0x2] =	wrdreg s2  }
0xb0: {  	[dreg:$0x3] =	wrdreg s18  }
0xb1: {  	[dreg:$0x4] =	wrdreg s24  }
0xb2: {  	[dreg:$0x5] =	wrdreg $0x93000  }
0xb3: {  	[dreg:$0x6] =	wrdreg $0x1D3000  }
0xb4: {  	[dreg:$0x7] =	wrdreg $0x9  }
0xb5: {  	_ =	task.clear_ibuf [dreg:s8], $0x8FFFF;
	_ =	strace $0x90000046  }
0xb6: {  	s29 =	simm.s32 $0x9;
	_ =	strace $0x80000048  }
0xb7: {  	_ =	swait.ge [sflag:s29], $0x1  }
0xb8: {  	[sflag:s29] =	ssyncadd.s32 $0xFFFFFFFF  }
0xb9: {  	_ =	strace $0x90000048  }
0xba: {  	_ =	sfence  }
0xbb: {  	s30 =	sld [smem:$0x0];
	_ =	sdelay $0x2  }
0xbc: {  	s31 =	sshll.u32 s1, $0xD;
	s1 =	sshrl.u32 s1, $0x2  }
0xbd: {  	s3 =	sand.u32 $0x4000, s31;
	s1 =	sadd.s32 s1, s30  }
0xbe: {  	s0 =	sor.u32 s3, s0;
	s1 =	sshll.u32 s1, $0x11  }
0xbf: {  	s0 =	sor.u32 s1, s0  }
0xc0: {  	s0 =	sadd.s32 $0x8F2B, s0  }
0xc1: {  	[sflag:s0] =	ssyncadd.remote.s32 $0x1  }
0xc2: {  	_ =	sfence.sel $0xFFFF  }
0xc3: {  	[dreg:$0x0] =	wrdreg $0xFFFFFFFF;
	(pc) =	sbr.abs _section_cstart, $3  }
0xc4: {  	[dreg:$0x1] =	wrdreg $0xFFFFFFFF  }
0xc5: {  	_ =	task.clear_ibuf [dreg:s8], $0x2FFFF;
	_ =	strace $0x9FFFFFFF  }
0xc6: {  	(tm) =	ssettm $0x7FFFFFFF  }
0xc7: {  	_ =	shalt  }
tec
execute0_lowered:
.L_overlay_start_1:
0x0: {  	(tag) =	ssettag $0x1  }
0x1: {  	s0 =	rddreg [dreg:$0x0]  }
0x2: {  	s1 =	rddreg [dreg:$0x1]  }
0x3: {  	s5 =	rddreg [dreg:$0x2];
	s3 =	srdreg.scid  }
0x4: {  	s2 =	rddreg [dreg:$0x3];
	s15 =	stileid.u32  }
0x5: {  	s4 =	simm.s32 $0x0;
	s28 =	simm.s32 $0x2800;
	s8 =	smul.u32 $0x14000, s15  }
0x6: {  	s29 =	simm.s32 $0x5080;
	s30 =	simm.s32 $0x1;
	s24 =	smul.u32 $0x500, s15  }
0x7: {  	s6 =	sand.u32 $0x1, s3;
	s3 =	rddreg [dreg:$0x4];
	s11 =	smul.u32 $0xA00, s15  }
0x8: {  	s31 =	simm.s32 $0x3;
	[smem:$0x7FF] =	sst s4;
	s17 =	smul.u32 $0x50000, s15  }
0x9: {  	s7 =	smul.u32 $0x140000, s6;
	_ =	strace $0x80000047;
	s9 =	sshll.u32 s6, $0x7  }
0xa: {  	s25 =	sshll.u32 s6, $0x4;
	s10 =	ssub.s32 $0x2, s6;
	s6 =	smul.u32 $0x271000, s6  }
0xb: {  	s12 =	sor.u32 s15, s25;
	s26 =	sshrl.u32 s10, $0x1;
	s11 =	sshrl.u32 s11, $0x2  }
0xc: {  	s20 =	sshrl.u32 s17, $0x2;
	s25 =	smul.u32 $0x27100, s15;
	s7 =	sadd.s32 s8, s7  }
0xd: {  	s8 =	sor.u32 s9, s24;
	s13 =	smul.u32 $0x138800, s12;
	s10 =	ssub.s32 s10, s26  }
0xe: {  	s14 =	sshll.u32 s12, $0xB;
	s9 =	sadd.s32 s20, s2;
	s22 =	smul.u32 $0x27100, s12  }
0xf: {  	s6 =	sadd.s32 s6, s0;
	s12 =	simm.s32 $0x10;
	s7 =	sshrl.u32 s7, $0x3  }
0x10: {  	s8 =	sshrl.u32 s8, $0x3;
	s1 =	sadd.s32 s1, s14;
	s23 =	smax.u32 s10, $0x1  }
0x11: {  	s24 =	sadd.s32 $0x2800, s9;
	s14 =	sadd.s32 $0x7800, s9;
	s15 =	sadd.s32 $0xA000, s9  }
0x12: {  	s17 =	sadd.s32 $0xF000, s9;
	s26 =	sadd.s32 s25, s6;
	s25 =	simm.s32 $0x50  }
0x13: {  	s6 =	simm.s32 $0x0;
	s7 =	sadd.s32 s7, s5;
	[dreg:$0x6] =	wrdreg s1  }
0x14: {  	s8 =	sadd.s32 s8, s5;
	s16 =	sshrl.u32 s13, $0x3;
	[dreg:$0xa] =	wrdreg s23  }
0x15: {  	s5 =	sadd.s32 s11, s3;
	[dreg:$0xb] =	wrdreg s24;
	s13 =	sadd.s32 $0x5000, s9  }
0x16: {  	s24 =	simm.s32 $0x5000;
	s23 =	simm.s32 $0x4;
	s19 =	sadd.s32 $0x1200, s7  }
0x17: {  	s18 =	sadd.s32 s0, s16;
	s21 =	sadd.s32 $0x51200, s8;
	[dreg:$0x8] =	wrdreg s19  }
0x18: {  	s16 =	sadd.s32 $0xC800, s9;
	s1 =	sadd.s32 $0x26C00, s18;
	[dreg:$0x9] =	wrdreg s21  }
0x19: {  	s18 =	sadd.s32 s0, s22;
	s19 =	sadd.s32 $0x11800, s9;
	s21 =	sadd.s32 $0xA00, s26  }
0x1a: {  	s22 =	simm.s32 $0x5;
	s26 =	simm.s32 $0x9000;
	s0 =	simm.s32 $0x8E00  }
0x1b: {  	v0 =	vimm.f32 $0.0e+00;
	v1 =	vimm.f32 $1.000000000e+00;
	[dreg:$0x7] =	wrdreg s1;
	s20 =	sadd.s32 $0x500, s18;
	s1 =	simm.s32 $0x2  }
.LBB2_1:
0x1c: {  	s7 =	simm.s32 $0x0;
	s8 =	simm.s32 $0x200  }
.LBB2_2:
0x1d: {  	p0 =	sne.s32 s8, $0x9E00;
	[tilespmem:s7+$0x70] =	vst v0  }
0x1e: {  	[tilespmem:s7+$0x0] =	vst v0  }
0x1f: {  	[tilespmem:s7+$0x10] =	vst v0  }
.Ltmp0:
0x20: {  	[tilespmem:s7+$0x20] =	vst v0;
	(pc) =	sbr.rel @p0 .LBB2_2-.Ltmp0, $4  }
0x21: {  	[tilespmem:s7+$0x30] =	vst v0  }
0x22: {  	[tilespmem:s7+$0x40] =	vst v0  }
0x23: {  	[tilespmem:s7+$0x50] =	vst v0  }
0x24: {  	[tilespmem:s7+$0x60] =	vst v0;
	s7 =	sshra.s32 s8, $0x2;
	s8 =	sadd.s32 $0x200, s8  }
0x25: {  	[tilespmem:s7+$0x70] =	vst v0  }
0x26: {  	[tilespmem:s7+$0x0] =	vst v0  }
0x27: {  	[tilespmem:s7+$0x10] =	vst v0  }
0x28: {  	[tilespmem:s7+$0x20] =	vst v0  }
0x29: {  	[tilespmem:s7+$0x30] =	vst v0  }
0x2a: {  	[tilespmem:s7+$0x40] =	vst v0  }
0x2b: {  	[tilespmem:s7+$0x50] =	vst v0  }
0x2c: {  	[tilespmem:s7+$0x60] =	vst v0  }
0x2d: {  	[tilespmem:$0x9080] =	vst v0  }
0x2e: {  	[tilespmem:$0x9090] =	vst v0  }
0x2f: {  	[tilespmem:$0x90A0] =	vst v0  }
0x30: {  	[tilespmem:$0x90B0] =	vst v0  }
0x31: {  	[tilespmem:$0x90C0] =	vst v0  }
0x32: {  	[tilespmem:$0x90D0] =	vst v0  }
0x33: {  	[tilespmem:$0x90E0] =	vst v0  }
0x34: {  	[tilespmem:$0x90F0] =	vst v0  }
0x35: {  	[tilespmem:$0x9100] =	vst v0  }
0x36: {  	[tilespmem:$0x9110] =	vst v0  }
0x37: {  	[tilespmem:$0x9120] =	vst v0  }
0x38: {  	[tilespmem:$0x9130] =	vst v0  }
0x39: {  	[tilespmem:$0x9140] =	vst v0  }
0x3a: {  	[tilespmem:$0x9150] =	vst v0  }
0x3b: {  	[tilespmem:$0x9160] =	vst v0  }
0x3c: {  	[tilespmem:$0x9170] =	vst v0  }
0x3d: {  	[tilespmem:$0x9180] =	vst v0  }
0x3e: {  	[tilespmem:$0x9190] =	vst v0  }
0x3f: {  	[tilespmem:$0x91A0] =	vst v0  }
0x40: {  	[tilespmem:$0x91B0] =	vst v0  }
0x41: {  	[tilespmem:$0x91C0] =	vst v0  }
0x42: {  	[tilespmem:$0x91D0] =	vst v0  }
0x43: {  	[tilespmem:$0x91E0] =	vst v0  }
0x44: {  	[tilespmem:$0x91F0] =	vst v0  }
0x45: {  	[tilespmem:$0x9200] =	vst v0  }
0x46: {  	[tilespmem:$0x9210] =	vst v0  }
0x47: {  	[tilespmem:$0x9220] =	vst v0  }
0x48: {  	[tilespmem:$0x9230] =	vst v0  }
0x49: {  	[tilespmem:$0x9240] =	vst v0  }
0x4a: {  	[tilespmem:$0x9250] =	vst v0  }
0x4b: {  	[tilespmem:$0x9260] =	vst v0  }
0x4c: {  	[tilespmem:$0x9270] =	vst v0  }
0x4d: {  	[tilespmem:$0x9280] =	vst v0  }
0x4e: {  	[tilespmem:$0x9290] =	vst v0  }
0x4f: {  	[tilespmem:$0x92A0] =	vst v0  }
0x50: {  	[tilespmem:$0x92B0] =	vst v0  }
0x51: {  	[tilespmem:$0x92C0] =	vst v0  }
0x52: {  	[tilespmem:$0x92D0] =	vst v0  }
0x53: {  	[tilespmem:$0x92E0] =	vst v0  }
0x54: {  	[tilespmem:$0x92F0] =	vst v0  }
0x55: {  	[tilespmem:$0x9000] =	vst v1  }
0x56: {  	[tilespmem:$0x9010] =	vst v1  }
0x57: {  	[tilespmem:$0x9020] =	vst v1  }
0x58: {  	[tilespmem:$0x9030] =	vst v1  }
0x59: {  	s7 =	simm.s32 $0x0;
	[tilespmem:$0x9040] =	vst v1  }
0x5a: {  	[spmem:s9] =	stream.linear.scatter [tilespmem:s7], [sflag:$0x5], $0x2800, $0x38;
	[tilespmem:$0x1D580] =	vst v63  }
0x5b: {  	_ =	swait.ge [sflag:s22], $0x2800  }
0x5c: {  	[sflag:s22] =	ssyncset.done $0x0  }
0x5d: {  	s8 =	rddreg [dreg:$0xb];
	[sflag:s22] =	ssyncadd.s32 $0xFFFFD800  }
0x5e: {  	[spmem:s8] =	stream.linear.scatter [tilespmem:s7], [sflag:$0x5], $0x2800, $0x38;
	[tilespmem:$0x1D580] =	vst v63  }
0x5f: {  	_ =	swait.ge [sflag:s22], $0x2800  }
0x60: {  	[sflag:s22] =	ssyncset.done $0x0  }
0x61: {  	[sflag:s22] =	ssyncadd.s32 $0xFFFFD800  }
0x62: {  	[spmem:s13] =	stream.linear.scatter [tilespmem:s7], [sflag:$0x5], $0x2800, $0x38;
	[tilespmem:$0x1D580] =	vst v63  }
0x63: {  	_ =	swait.ge [sflag:s22], $0x2800  }
0x64: {  	[sflag:s22] =	ssyncset.done $0x0  }
0x65: {  	[sflag:s22] =	ssyncadd.s32 $0xFFFFD800  }
0x66: {  	[spmem:s14] =	stream.linear.scatter [tilespmem:s7], [sflag:$0x5], $0x2800, $0x38;
	[tilespmem:$0x1D580] =	vst v63  }
0x67: {  	_ =	swait.ge [sflag:s22], $0x2800  }
0x68: {  	[sflag:s22] =	ssyncset.done $0x0  }
0x69: {  	[sflag:s22] =	ssyncadd.s32 $0xFFFFD800  }
0x6a: {  	[spmem:s15] =	stream.linear.scatter [tilespmem:s7], [sflag:$0x5], $0x2800, $0x38;
	[tilespmem:$0x1D580] =	vst v63  }
0x6b: {  	_ =	swait.ge [sflag:s22], $0x2800  }
0x6c: {  	[sflag:s22] =	ssyncset.done $0x0  }
0x6d: {  	[sflag:s22] =	ssyncadd.s32 $0xFFFFD800  }
0x6e: {  	[spmem:s16] =	stream.linear.scatter [tilespmem:s7], [sflag:$0x5], $0x2800, $0x38;
	[tilespmem:$0x1D580] =	vst v63  }
0x6f: {  	_ =	swait.ge [sflag:s22], $0x2800  }
0x70: {  	[sflag:s22] =	ssyncset.done $0x0  }
0x71: {  	[sflag:s22] =	ssyncadd.s32 $0xFFFFD800  }
0x72: {  	[spmem:s17] =	stream.linear.scatter [tilespmem:s7], [sflag:$0x5], $0x2800, $0x38;
	[tilespmem:$0x1D580] =	vst v63  }
0x73: {  	_ =	swait.ge [sflag:s22], $0x2800  }
0x74: {  	[sflag:s22] =	ssyncset.done $0x0  }
0x75: {  	[sflag:s22] =	ssyncadd.s32 $0xFFFFD800  }
0x76: {  	[spmem:s19] =	stream.linear.scatter [tilespmem:s7], [sflag:$0x5], $0x2800, $0x38;
	[tilespmem:$0x1D580] =	vst v63  }
0x77: {  	_ =	swait.ge [sflag:s22], $0x2800  }
0x78: {  	[sflag:s22] =	ssyncset.done $0x0  }
0x79: {  	s10 =	simm.s32 $0x9080;
	[sflag:s22] =	ssyncadd.s32 $0xFFFFD800  }
0x7a: {  	[spmem:s5] =	stream.linear.scatter [tilespmem:s10], [sflag:$0x5], $0x280, $0x38;
	[tilespmem:$0x1D580] =	vst v63  }
0x7b: {  	_ =	swait.ge [sflag:s22], $0x280  }
0x7c: {  	[sflag:s22] =	ssyncset.done $0x0  }
0x7d: {  	[sflag:s22] =	ssyncadd.s32 $0xFFFFFD80  }
0x7e: {  	[bflag:$0x0] =	sbarrier.arrive $0xFFFF  }
0x7f: {  	s11 =	rddreg [dreg:$0x6]  }
0x80: {  	[tilespmem:s24], [sflag:$0x5] =	stream.linear.gather [hbm4b:s11+s7], $0x3E80, $0x38;
	[tilespmem:$0x1D580] =	vst v63  }
0x81: {  	_ =	swait.ge [sflag:s22], $0x3E80  }
0x82: {  	[sflag:s22] =	ssyncset.done $0x0  }
0x83: {  	[sflag:s22] =	ssyncadd.s32 $0xFFFFC180  }
0x84: {  	[tilespmem:s7], [sflag:$0x5] =	stream.linear.gather [hbm4b:s18+s7], $0x2800, $0x38;
	[tilespmem:$0x1D580] =	vst v63  }
0x85: {  	_ =	swait.ge [sflag:s22], $0x2800  }
0x86: {  	[sflag:s22] =	ssyncset.done $0x0  }
0x87: {  	[sflag:s22] =	ssyncadd.s32 $0xFFFFD800  }
0x88: {  	[spmem:s2] =	stream.indirect.scatter.add.f32 [tilespmem:s7], [sflag:$0x1], $0x80, s24, s25, $0xb8;
	[tilespmem:$0x1D580] =	vst v63  }
0x89: {  	_ = 	snop  }
0x8a: {  	[spmem:s3] =	stream.indirect.scatter.add.f32 [tilespmem:s26], [sflag:$0x3], $0x1, s24, s25, $0xb8;
	[tilespmem:$0x1D580] =	vst v63  }
0x8b: {  	_ = 	snop  }
0x8c: {  	[tilespmem:s28], [sflag:$0x5] =	stream.linear.gather [hbm4b:s20+s7], $0x2800, $0x38;
	[tilespmem:$0x1D580] =	vst v63  }
0x8d: {  	_ =	swait.ge [sflag:s22], $0x2800  }
0x8e: {  	[sflag:s22] =	ssyncset.done $0x0  }
0x8f: {  	[sflag:s22] =	ssyncadd.s32 $0xFFFFD800  }
0x90: {  	[spmem:s2] =	stream.indirect.scatter.add.f32 [tilespmem:s28], [sflag:$0x2], $0x80, s29, s25, $0xb8;
	[tilespmem:$0x1D580] =	vst v63  }
0x91: {  	_ = 	snop  }
0x92: {  	[spmem:s3] =	stream.indirect.scatter.add.f32 [tilespmem:s26], [sflag:$0x4], $0x1, s29, s25, $0xb8;
	[tilespmem:$0x1D580] =	vst v63  }
0x93: {  	_ =	swait.ge [sflag:s30], $0x2800  }
0x94: {  	[sflag:s30] =	ssyncset.done $0x0  }
0x95: {  	[sflag:s30] =	ssyncadd.s32 $0xFFFFD800  }
0x96: {  	_ =	swait.ge [sflag:s31], $0x50  }
0x97: {  	[sflag:s31] =	ssyncset.done $0x0  }
0x98: {  	[sflag:s31] =	ssyncadd.s32 $0xFFFFFFB0  }
0x99: {  	[tilespmem:s4], [sflag:$0x5] =	stream.linear.gather [hbm4b:s21+s4], $0x2800, $0x38;
	[tilespmem:$0x1D580] =	vst v63  }
0x9a: {  	_ =	swait.ge [sflag:s22], $0x2800  }
0x9b: {  	[sflag:s22] =	ssyncset.done $0x0  }
0x9c: {  	s10 =	simm.s32 $0x5100;
	[sflag:s22] =	ssyncadd.s32 $0xFFFFD800  }
0x9d: {  	[spmem:s2] =	stream.indirect.scatter.add.f32 [tilespmem:s4], [sflag:$0x1], $0x80, s10, s25, $0xb8;
	[tilespmem:$0x1D580] =	vst v63  }
0x9e: {  	_ = 	snop  }
0x9f: {  	[spmem:s3] =	stream.indirect.scatter.add.f32 [tilespmem:s26], [sflag:$0x3], $0x1, s10, s25, $0xb8;
	[tilespmem:$0x1D580] =	vst v63  }
0xa0: {  	_ =	swait.ge [sflag:s1], $0x2800  }
0xa1: {  	[sflag:s1] =	ssyncset.done $0x0  }
0xa2: {  	[sflag:s1] =	ssyncadd.s32 $0xFFFFD800  }
0xa3: {  	_ =	swait.ge [sflag:s23], $0x50  }
0xa4: {  	[sflag:s23] =	ssyncset.done $0x0  }
0xa5: {  	s11 =	sadd.s32 $0x500, s21;
	[sflag:s23] =	ssyncadd.s32 $0xFFFFFFB0  }
0xa6: {  	[tilespmem:s28], [sflag:$0x5] =	stream.linear.gather [hbm4b:s11+s4], $0x2800, $0x38;
	[tilespmem:$0x1D580] =	vst v63  }
0xa7: {  	_ =	swait.ge [sflag:s22], $0x2800  }
0xa8: {  	s8 =	sadd.s32 $0xA00, s21;
	[sflag:s22] =	ssyncset.done $0x0  }
0xa9: {  	s7 =	simm.s32 $0x400;
	s10 =	simm.s32 $0x5180;
	[sflag:s22] =	ssyncadd.s32 $0xFFFFD800  }
0xaa: {  	[spmem:s2] =	stream.indirect.scatter.add.f32 [tilespmem:s28], [sflag:$0x2], $0x80, s10, s25, $0xb8;
	[tilespmem:$0x1D580] =	vst v63  }
.LBB2_4:
0xab: {  	[spmem:s3] =	stream.indirect.scatter.add.f32 [tilespmem:s26], [sflag:$0x4], $0x1, s10, s25, $0xb8;
	[tilespmem:$0x1D580] =	vst v63  }
0xac: {  	s10 =	smov.u32 s7  }
0xad: {  	p0 =	sne.s32 s7, $0xF000;
	s7 =	sadd.s32 $0x400, s7;
	_ =	swait.ge [sflag:s30], $0x2800  }
0xae: {  	[sflag:s30] =	ssyncset.done $0x0  }
0xaf: {  	[sflag:s30] =	ssyncadd.s32 $0xFFFFD800  }
0xb0: {  	_ =	swait.ge [sflag:s31], $0x50  }
0xb1: {  	[sflag:s31] =	ssyncset.done $0x0  }
0xb2: {  	[sflag:s31] =	ssyncadd.s32 $0xFFFFFFB0  }
0xb3: {  	[tilespmem:s4], [sflag:$0x5] =	stream.linear.gather [hbm4b:s8+s4], $0x2800, $0x38;
	[tilespmem:$0x1D580] =	vst v63  }
0xb4: {  	_ =	swait.ge [sflag:s22], $0x2800  }
0xb5: {  	s10 =	sshra.s32 s10, $0x2;
	[sflag:s22] =	ssyncset.done $0x0  }
0xb6: {  	s11 =	sadd.s32 $0x5100, s10;
	[sflag:s22] =	ssyncadd.s32 $0xFFFFD800  }
0xb7: {  	[spmem:s2] =	stream.indirect.scatter.add.f32 [tilespmem:s4], [sflag:$0x1], $0x80, s11, s25, $0xb8;
	[tilespmem:$0x1D580] =	vst v63  }
0xb8: {  	_ = 	snop  }
0xb9: {  	[spmem:s3] =	stream.indirect.scatter.add.f32 [tilespmem:s26], [sflag:$0x3], $0x1, s11, s25, $0xb8;
	[tilespmem:$0x1D580] =	vst v63  }
0xba: {  	_ =	swait.ge [sflag:s1], $0x2800  }
0xbb: {  	[sflag:s1] =	ssyncset.done $0x0  }
0xbc: {  	[sflag:s1] =	ssyncadd.s32 $0xFFFFD800  }
0xbd: {  	_ =	swait.ge [sflag:s23], $0x50  }
0xbe: {  	[sflag:s23] =	ssyncset.done $0x0  }
0xbf: {  	s11 =	sadd.s32 $0x500, s8;
	[sflag:s23] =	ssyncadd.s32 $0xFFFFFFB0  }
0xc0: {  	[tilespmem:s28], [sflag:$0x5] =	stream.linear.gather [hbm4b:s11+s4], $0x2800, $0x38;
	[tilespmem:$0x1D580] =	vst v63  }
.Ltmp1:
0xc1: {  	_ =	swait.ge [sflag:s22], $0x2800;
	(pc) =	sbr.rel @p0 .LBB2_4-.Ltmp1, $4  }
0xc2: {  	[sflag:s22] =	ssyncset.done $0x0  }
0xc3: {  	s10 =	sadd.s32 $0x5180, s10;
	[sflag:s22] =	ssyncadd.s32 $0xFFFFD800  }
0xc4: {  	[spmem:s2] =	stream.indirect.scatter.add.f32 [tilespmem:s28], [sflag:$0x2], $0x80, s10, s25, $0xb8;
	[tilespmem:$0x1D580] =	vst v63  }
0xc5: {  	s8 =	sadd.s32 $0xA00, s8  }
0xc6: {  	[spmem:s3] =	stream.indirect.scatter.add.f32 [tilespmem:s26], [sflag:$0x4], $0x1, s10, s25, $0xb8;
	[tilespmem:$0x1D580] =	vst v63  }
0xc7: {  	_ =	swait.ge [sflag:s30], $0x2800  }
0xc8: {  	[sflag:s30] =	ssyncset.done $0x0  }
0xc9: {  	[sflag:s30] =	ssyncadd.s32 $0xFFFFD800  }
0xca: {  	_ =	swait.ge [sflag:s31], $0x50  }
0xcb: {  	[sflag:s31] =	ssyncset.done $0x0  }
0xcc: {  	[sflag:s31] =	ssyncadd.s32 $0xFFFFFFB0  }
0xcd: {  	_ =	swait.ge [sflag:s1], $0x2800  }
0xce: {  	[sflag:s1] =	ssyncset.done $0x0  }
0xcf: {  	[sflag:s1] =	ssyncadd.s32 $0xFFFFD800  }
0xd0: {  	_ =	swait.ge [sflag:s23], $0x50  }
0xd1: {  	[sflag:s23] =	ssyncset.done $0x0  }
0xd2: {  	s7 =	rddreg [dreg:$0x7];
	[sflag:s23] =	ssyncadd.s32 $0xFFFFFFB0  }
0xd3: {  	[tilespmem:s4], [sflag:$0x5] =	stream.linear.gather [hbm4b:s7+s4], $0x2800, $0x38;
	[tilespmem:$0x1D580] =	vst v63  }
0xd4: {  	_ =	swait.ge [sflag:s22], $0x2800  }
0xd5: {  	[sflag:s22] =	ssyncset.done $0x0  }
0xd6: {  	[sflag:s22] =	ssyncadd.s32 $0xFFFFD800  }
0xd7: {  	[spmem:s2] =	stream.indirect.scatter.add.f32 [tilespmem:s4], [sflag:$0x1], $0x80, s0, s25, $0xb8;
	[tilespmem:$0x1D580] =	vst v63  }
0xd8: {  	_ = 	snop  }
0xd9: {  	[spmem:s3] =	stream.indirect.scatter.add.f32 [tilespmem:s26], [sflag:$0x3], $0x1, s0, s25, $0xb8;
	[tilespmem:$0x1D580] =	vst v63  }
0xda: {  	_ =	swait.ge [sflag:s30], $0x2800  }
0xdb: {  	[sflag:s30] =	ssyncset.done $0x0  }
0xdc: {  	[sflag:s30] =	ssyncadd.s32 $0xFFFFD800  }
0xdd: {  	_ =	swait.ge [sflag:s31], $0x50  }
0xde: {  	[sflag:s31] =	ssyncset.done $0x0  }
0xdf: {  	s10 =	stileid.u32;
	[sflag:s31] =	ssyncadd.s32 $0xFFFFFFB0  }
0xe0: {  	s7 =	sshll.u32 s10, $0x6;
	[bflag:$0x0] =	sbarrier.arrive $0xFFFF  }
0xe1: {  	s8 =	sshrl.u32 s9, $0x3;
	s7 =	sor.u32 $0x1C05, s7;
	s11 =	rddreg [dreg:$0x8]  }
0xe2: {  	[hbm:s11], [sflag:s7] =	dma.local [spmem:s8], $0x2800  }
0xe3: {  	_ =	swait.ge [sflag:s22], $0x2800  }
0xe4: {  	s8 =	sshrl.u32 s5, $0x3;
	[sflag:s22] =	ssyncset.done $0x0  }
0xe5: {  	s11 =	simm.s32 $0x20;
	s10 =	rddreg [dreg:$0x9];
	[sflag:s22] =	ssyncadd.s32 $0xFFFFD800  }
0xe6: {  	[hbm:s10@s11], [sflag:s7] =	dma.strided [spmem:s8@s12], $0x50, s30, $0x10   }
0xe7: {  	_ =	swait.ge [sflag:s22], $0x50  }
0xe8: {  	s6 =	sadd.s32 $0x1, s6;
	s11 =	rddreg [dreg:$0xa]  }
0xe9: {  	p0 =	sne.s32 s6, s11  }
.Ltmp2:
0xea: {  	_ = 	snop;
	(pc) =	sbr.rel @p0 .LBB2_1-.Ltmp2, $3  }
0xeb: {  	_ =	sdelay $0x1  }
0xec: {  	[sflag:s22] =	ssyncset.done $0x0  }
0xed: {  	[sflag:s22] =	ssyncadd.s32 $0xFFFFFFB0  }
0xee: {  	_ =	sfence.sel $0x180000  }
0xef: {  	[bflag:$0x0] =	sbarrier.arrive $0xFFFF  }
0xf0: {  	_ =	strace $0x90000047  }
0xf1: {  	s0 =	stileid.u32;
	[bflag:$0x2] =	sbarrier.arrive $0xFFFF  }
0xf2: {  	p0 =	sne.s32 s0, $0x0;
	s0 =	rddreg [dreg:$0x5]  }
0xf3: {  	s0 =	sadd.s32 @!p0 $0x100000, s0  }
0xf4: {  	[sflag:s0] =	ssyncadd.tile.s32 @!p0 $0x1;
	_ =	shalt  }
.Lfunc_end2:
_tile_overlayer_lowered:
.L_overlay_start_2:
0xf5: {  	(tag) =	ssettag $0x2  }
0xf6: {  	s0 =	rddreg [dreg:$0x0];
	s2 =	stileid.u32  }
0xf7: {  	s1 =	rddreg [dreg:$0x1];
	p0 =	sne.s32 s2, $0x0  }
0xf8: {  	s3 =	rddreg [dreg:$0x2];
	[bflag:$0x3] =	sbarrier.arrive $0xFFFF;
	s2 =	simm.s32 @!p0 $0x1C05  }
0xf9: {  	[timem:s3], [sflag:s2] =	dma.local @!p0 [hbm:s0], s1  }
0xfa: {  	s0 =	simm.s32 @!p0 $0x5  }
0xfb: {  	_ =	swait.ge @!p0 [sflag:s0], s1  }
0xfc: {  	s1 =	ssub.s32 @!p0 $0x0, s1;
	[sflag:s0] =	ssyncset.done @!p0 $0x0  }
0xfd: {  	[sflag:s0] =	ssyncadd.s32 @!p0 s1  }
0xfe: {  	[bflag:$0x3] =	sbarrier.arrive $0xFFFF  }
0xff: {  	_ =	shalt  }

</sc_bundles>
